<compile_context>
chip_gen: v7x
topology: tpu7x:2x2x1
jax: 0.10.2.dev20260603
libtpu: 0.0.44.dev20260713+nightly
codegen_flags: <defaults>
</compile_context>

<pallas_src>
import functools

import jax
import jax.numpy as jnp
from jax import lax
from jax.experimental import pallas as pl
from jax.experimental.pallas import tpu as pltpu
from jax.experimental.pallas import tpu_sc as plsc

N = 10000
NP = 10240
D = 128
E = 320000
NCLS = 40

NC = 2
NS = 16
NW = NC * NS
CH = 128
NCHUNK = -(-E // (NW * CH))
EP = NW * NCHUNK * CH
NT = NP // NS

def _sage_body(x_hbm, src_hbm, dst_hbm, zrow_hbm, zdeg_hbm, ones_hbm,
               aggp_hbm, degp_hbm,
               src_v, dst_v, rows_v, ones_v, agg_s, deg_s):
    c = lax.axis_index("c")
    s = lax.axis_index("s")
    w = s * NC + c
    base = s * NT
    pltpu.sync_copy(src_hbm.at[w], src_v)
    pltpu.sync_copy(dst_hbm.at[w], dst_v)
    pltpu.sync_copy(ones_hbm, ones_v)
    pltpu.sync_copy(zrow_hbm, agg_s.at[pl.ds(base, NT)])
    pltpu.sync_copy(zdeg_hbm, deg_s.at[pl.ds(base, NT)])
    plsc.subcore_barrier()

    def body(j, carry):
        pltpu.sync_copy(x_hbm.at[src_v.at[j]], rows_v)
        pltpu.sync_copy(rows_v, agg_s.at[dst_v.at[j]], add=True)
        pltpu.sync_copy(ones_v, deg_s.at[dst_v.at[j]], add=True)
        return carry

    lax.fori_loop(0, NCHUNK, body, 0)
    plsc.subcore_barrier()
    pltpu.sync_copy(agg_s.at[pl.ds(base, NT)], aggp_hbm.at[c, pl.ds(base, NT)])
    pltpu.sync_copy(deg_s.at[pl.ds(base, NT)], degp_hbm.at[c, pl.ds(base, NT)])


@functools.cache
def _get_sage_agg():
    mesh = plsc.VectorSubcoreMesh(core_axis_name="c", subcore_axis_name="s",
                                  num_cores=NC, num_subcores=NS)
    return pl.kernel(
        _sage_body,
        out_type=(jax.ShapeDtypeStruct((NC, NP, D), jnp.float32),
                  jax.ShapeDtypeStruct((NC, NP), jnp.float32)),
        mesh=mesh,
        scratch_types=[
            pltpu.VMEM((NCHUNK, CH), jnp.int32),
            pltpu.VMEM((NCHUNK, CH), jnp.int32),
            pltpu.VMEM((CH, D), jnp.float32),
            pltpu.VMEM((CH,), jnp.float32),
            pltpu.VMEM_SHARED((NP, D), jnp.float32),
            pltpu.VMEM_SHARED((NP,), jnp.float32),
        ],
    )


BR = 2048
NB = NP // BR


def _mask_rows(i, val):
    rows = i * BR + lax.broadcasted_iota(jnp.int32, val.shape, 0)
    return jnp.where(rows < N, val, 0.0)


def _mean_agg(agg0, agg1, deg0, deg1):
    deg = jnp.maximum(deg0[...] + deg1[...], 1.0)
    return (agg0[...] + agg1[...]) / deg


def _dot(a, b):
    return jnp.dot(a, b, preferred_element_type=jnp.float32)


def _tc1_body(xh, posf, Wp, bp, We0, be0, We1, be1, Wi, bi, x0_o, hyp_o):
    i = pl.program_id(0)
    p = _dot(posf[...], Wp[...]) + bp[...]
    h = jax.nn.relu(_dot(p, We0[...]) + be0[...])
    h = jax.nn.relu(_dot(h, We1[...]) + be1[...])
    hyp_o[...] = jnp.tanh(h)
    x0_o[...] = _mask_rows(i, _dot(xh[...], Wi[...]) + bi[...])


def _tc2_body(agg0, agg1, deg0, deg1, x0, hyp, Wl, bl, Wr, x1_o):
    i = pl.program_id(0)
    agg = _mean_agg(agg0, agg1, deg0, deg1)
    x = _dot(agg, Wl[...]) + bl[...] + _dot(x0[...], Wr[...]) + hyp[...]
    x1_o[...] = _mask_rows(i, jax.nn.relu(x))


def _tc3_body(agg0, agg1, deg0, deg1, x1, Wl, bl, Wr, Wlast, blast,
              emb_o, logp_o):
    agg = _mean_agg(agg0, agg1, deg0, deg1)
    x2 = _dot(agg, Wl[...]) + bl[...] + _dot(x1[...], Wr[...])
    e = _dot(x2, Wlast[...]) + blast[...]
    m = jnp.max(e, axis=1, keepdims=True)
    lse = m + jnp.log(jnp.sum(jnp.exp(e - m), axis=1, keepdims=True))
    emb_o[...] = e
    logp_o[...] = e - lse


def _rowspec(cols):
    return pl.BlockSpec((BR, cols), lambda i: (i, 0))


def _fullspec(r, c):
    return pl.BlockSpec((r, c), lambda i: (0, 0))


_tc1 = pl.pallas_call(
    _tc1_body,
    grid=(NB,),
    in_specs=[
        _rowspec(D), _rowspec(16),
        _fullspec(16, D), _fullspec(1, D),
        _fullspec(D, D), _fullspec(1, D),
        _fullspec(D, D), _fullspec(1, D),
        _fullspec(D, D), _fullspec(1, D),
    ],
    out_specs=[_rowspec(D), _rowspec(D)],
    out_shape=[jax.ShapeDtypeStruct((NP, D), jnp.float32),
               jax.ShapeDtypeStruct((NP, D), jnp.float32)],
)

_tc2 = pl.pallas_call(
    _tc2_body,
    grid=(NB,),
    in_specs=[
        _rowspec(D), _rowspec(D), _rowspec(1), _rowspec(1),
        _rowspec(D), _rowspec(D),
        _fullspec(D, D), _fullspec(1, D), _fullspec(D, D),
    ],
    out_specs=[_rowspec(D)],
    out_shape=[jax.ShapeDtypeStruct((NP, D), jnp.float32)],
)

_tc3 = pl.pallas_call(
    _tc3_body,
    grid=(NB,),
    in_specs=[
        _rowspec(D), _rowspec(D), _rowspec(1), _rowspec(1),
        _rowspec(D),
        _fullspec(D, D), _fullspec(1, D), _fullspec(D, D),
        _fullspec(D, NCLS), _fullspec(1, NCLS),
    ],
    out_specs=[_rowspec(NCLS), _rowspec(NCLS)],
    out_shape=[jax.ShapeDtypeStruct((NP, NCLS), jnp.float32),
               jax.ShapeDtypeStruct((NP, NCLS), jnp.float32)],
)


@jax.jit
def kernel(x_h, adj, edge_index, pos_feat, Wp, bp, We0, be0, We1, be1,
           Wi, bi, Wl0, bl0, Wr0, Wl1, bl1, Wr1, Wlast, blast):
    del adj
    src = edge_index[0]
    dst = edge_index[1]
    pad = EP - E
    srcp = jnp.concatenate([src, jnp.full((pad,), N, jnp.int32)]).reshape(NW, NCHUNK, CH)
    dstp = jnp.concatenate([dst, jnp.full((pad,), N, jnp.int32)]).reshape(NW, NCHUNK, CH)
    xh_p = jnp.pad(x_h, ((0, NP - N), (0, 0)))
    pos_p = jnp.pad(pos_feat, ((0, NP - N), (0, 0)))
    zrow = jnp.zeros((NT, D), jnp.float32)
    zdeg = jnp.zeros((NT,), jnp.float32)
    ones = jnp.ones((CH,), jnp.float32)
    r = lambda v: v.reshape(1, -1)

    sage_agg = _get_sage_agg()
    x0, hyp = _tc1(xh_p, pos_p, Wp, r(bp), We0, r(be0), We1, r(be1), Wi, r(bi))
    aggp, degp = sage_agg(x0, srcp, dstp, zrow, zdeg, ones)
    deg0 = degp[0].reshape(NP, 1)
    deg1 = degp[1].reshape(NP, 1)
    x1, = _tc2(aggp[0], aggp[1], deg0, deg1, x0, hyp, Wl0, r(bl0), Wr0)
    aggp2, _ = sage_agg(x1, srcp, dstp, zrow, zdeg, ones)
    emb, logp = _tc3(aggp2[0], aggp2[1], deg0, deg1, x1,
                     Wl1, r(bl1), Wr1, Wlast, r(blast))
    return emb[:N], logp[:N]

# --- scband reference (transcript-rebuilt; emitter-appended) ---
"""Pipeline reference for scband-sage-11587821765290 (READ-ONLY COPY).

The authoritative reference and input builder live on the scoring server;
editing this copy changes nothing except your own understanding.
"""

import jax, jax.numpy as jnp
import numpy as np

N = 10000
E = 320000
D_FEAT = 128
HID = 128
POS_DIM = 16
N_CLS = 40
GCN_LAYERS = 2

def _lin(key, fan_in, fan_out, bias=True):
    k1, k2 = jax.random.split(key)
    bound = 1.0 / np.sqrt(fan_in)
    W = jax.random.uniform(k1, (fan_in, fan_out), minval=-bound, maxval=bound, dtype=jnp.float32)
    if bias:
        b = jax.random.uniform(k2, (fan_out,), minval=-bound, maxval=bound, dtype=jnp.float32)
        return W, b
    return W

def setup_inputs(seed: int = 0):
    key = jax.random.key(seed)
    ks = jax.random.split(key, 12)
    x_h = jax.random.normal(ks[0], (N, D_FEAT), dtype=jnp.float32)
    adj = jnp.zeros((N, N), dtype=jnp.float32)
    edge_index = jax.random.randint(ks[1], (2, E), 0, N, dtype=jnp.int32)
    pos_feat = jax.random.normal(ks[2], (N, POS_DIM), dtype=jnp.float32)
    Wp, bp = _lin(ks[3], POS_DIM, HID)
    We0, be0 = _lin(ks[4], HID, HID)
    We1, be1 = _lin(ks[5], HID, HID)
    Wi, bi = _lin(ks[6], D_FEAT, HID)
    Wl0, bl0 = _lin(ks[7], HID, HID)
    Wr0 = _lin(ks[8], HID, HID, bias=False)
    Wl1, bl1 = _lin(ks[9], HID, HID)
    Wr1 = _lin(ks[10], HID, HID, bias=False)
    Wlast, blast = _lin(ks[11], HID, N_CLS)
    return {"x_h": x_h, "adj": adj, "edge_index": edge_index, "pos_feat": pos_feat,
            "Wp": Wp, "bp": bp, "We0": We0, "be0": be0, "We1": We1, "be1": be1,
            "Wi": Wi, "bi": bi, "Wl0": Wl0, "bl0": bl0, "Wr0": Wr0,
            "Wl1": Wl1, "bl1": bl1, "Wr1": Wr1, "Wlast": Wlast, "blast": blast}

def reference(x_h, adj, edge_index, pos_feat, Wp, bp, We0, be0, We1, be1, Wi, bi, Wl0, bl0, Wr0, Wl1, bl1, Wr1, Wlast, blast):
    # pos_embedding
    pos = pos_feat @ Wp + bp
    # PositionalEncoding.encode: Euclidean manifold / HNN model -> stack of Linear+act
    # (adj is unused by HNN encoder; dropout is identity in eval mode)
    h = pos
    for W, b in ((We0, be0), (We1, be1)):
        h = jax.nn.relu(h @ W + b)
    hyp_pos_feat = jnp.tanh(h)
    # init_w
    x = x_h @ Wi + bi
    src = edge_index[0]
    dst = edge_index[1]
    deg = jax.ops.segment_sum(jnp.ones(src.shape, jnp.float32), dst, num_segments=N)
    deg = jnp.maximum(deg, 1.0)
    # SAGEConv(mean aggr): out = lin_l(mean_{j in N(i)} x_j) + lin_r(x_i)
    for i, (Wl, bl, Wr) in enumerate(((Wl0, bl0, Wr0), (Wl1, bl1, Wr1))):
        msg = jnp.take(x, src, axis=0)
        agg = jax.ops.segment_sum(msg, dst, num_segments=N) / deg[:, None]
        x = agg @ Wl + bl + x @ Wr
        if i != GCN_LAYERS - 1:
            # run_base == 'False' -> add hyperbolic positional encoding
            x = x + hyp_pos_feat
            # dropout: eval mode identity
            x = jax.nn.relu(x)
    embedding = x @ Wlast + blast
    log_probs = jax.nn.log_softmax(embedding, axis=1)
    return embedding, log_probs

if __name__ == "__main__":
    import jax
    _d = setup_inputs()
    print(jax.jit(kernel)(*tuple(_d.values())))

</pallas_src>

<mosaic_0001>
#map = affine_map<(d0, d1) -> (0, 0)>
#map1 = affine_map<(d0, d1) -> (0, 0, 0)>
#map2 = affine_map<(d0, d1) -> (0)>
module attributes {stable_mosaic.version = 14 : i64} {
  func.func @_sage_body(%arg0: i32, %arg1: i32, %arg2: memref<10240x128xf32, #tpu.memory_space<hbm>>, %arg3: memref<32x79x128xi32, #tpu.memory_space<hbm>>, %arg4: memref<32x79x128xi32, #tpu.memory_space<hbm>>, %arg5: memref<640x128xf32, #tpu.memory_space<hbm>>, %arg6: memref<640xf32, #tpu.memory_space<hbm>>, %arg7: memref<128xf32, #tpu.memory_space<hbm>>, %arg8: memref<2x10240x128xf32, #tpu.memory_space<hbm>>, %arg9: memref<2x10240xf32, #tpu.memory_space<hbm>>, %arg10: memref<79x128xi32, #tpu.memory_space<vmem>>, %arg11: memref<79x128xi32, #tpu.memory_space<vmem>>, %arg12: memref<128x128xf32, #tpu.memory_space<vmem>>, %arg13: memref<128xf32, #tpu.memory_space<vmem>>, %arg14: memref<10240x128xf32, #tpu.memory_space<vmem_shared>>, %arg15: memref<10240xf32, #tpu.memory_space<vmem_shared>>) attributes {dimension_semantics = [#tpu.dimension_semantics<core_parallel>, #tpu.dimension_semantics<subcore_parallel>], iteration_bounds = array<i64: 2, 16>, scalar_prefetch = 0 : i64, scratch_operands = 6 : i64, tpu.core_type = #tpu.core_type<sc_vector_subcore>, window_params = [{transform_indices = #map}, {transform_indices = #map1}, {transform_indices = #map1}, {transform_indices = #map}, {transform_indices = #map2}, {transform_indices = #map2}, {transform_indices = #map1}, {transform_indices = #map}]} {
    %mul3A = arith.constant 2 : i32
    %mul3A_0 = arith.muli %arg1, %mul3A : i32
    %add3A = arith.addi %mul3A_0, %arg0 : i32
    %mul3A_1 = arith.constant 640 : i32
    %mul3A_2 = arith.muli %arg1, %mul3A_1 : i32
    "tpu.region"() ({
      %run_scoped3A = tpu.sem_alloc : memref<!tpu.dma_semaphore, #tpu.memory_space<semaphore_mem>>
      %dma_start3A = arith.constant 0 : i32
      %dma_start3A_9 = arith.constant 0 : i32
      %dma_start3A_10 = tpu.memref_slice %arg3[%add3A, %dma_start3A, %dma_start3A_9] : memref<32x79x128xi32, #tpu.memory_space<hbm>> -> memref<1x79x128xi32, #tpu.memory_space<hbm>>
      %dma_start3A_11 = tpu.memref_squeeze %dma_start3A_10 : memref<1x79x128xi32, #tpu.memory_space<hbm>> -> memref<79x128xi32, #tpu.memory_space<hbm>>
      %dma_start3A_12 = arith.constant 0 : i32
      %dma_start3A_13 = arith.constant 0 : i32
      %dma_start3A_14 = tpu.memref_slice %arg3[%add3A, %dma_start3A_12, %dma_start3A_13] : memref<32x79x128xi32, #tpu.memory_space<hbm>> -> memref<1x79x128xi32, #tpu.memory_space<hbm>>
      %dma_start3A_15 = tpu.memref_squeeze %dma_start3A_14 : memref<1x79x128xi32, #tpu.memory_space<hbm>> -> memref<79x128xi32, #tpu.memory_space<hbm>>
      tpu.enqueue_dma source(%dma_start3A_15 : memref<79x128xi32, #tpu.memory_space<hbm>>) target(%arg10 : memref<79x128xi32, #tpu.memory_space<vmem>>) target_semaphore(%run_scoped3A : memref<!tpu.dma_semaphore, #tpu.memory_space<semaphore_mem>>)
      %dma_wait3A = arith.constant 0 : i32
      %dma_wait3A_16 = arith.constant 0 : i32
      %dma_wait3A_17 = tpu.memref_slice %arg3[%add3A, %dma_wait3A, %dma_wait3A_16] : memref<32x79x128xi32, #tpu.memory_space<hbm>> -> memref<1x79x128xi32, #tpu.memory_space<hbm>>
      %dma_wait3A_18 = tpu.memref_squeeze %dma_wait3A_17 : memref<1x79x128xi32, #tpu.memory_space<hbm>> -> memref<79x128xi32, #tpu.memory_space<hbm>>
      %dma_wait3A_19 = arith.constant 0 : i32
      %dma_wait3A_20 = arith.constant 0 : i32
      %dma_wait3A_21 = tpu.memref_slice %arg3[%add3A, %dma_wait3A_19, %dma_wait3A_20] : memref<32x79x128xi32, #tpu.memory_space<hbm>> -> memref<1x79x128xi32, #tpu.memory_space<hbm>>
      %dma_wait3A_22 = tpu.memref_squeeze %dma_wait3A_21 : memref<1x79x128xi32, #tpu.memory_space<hbm>> -> memref<79x128xi32, #tpu.memory_space<hbm>>
      tpu.wait_dma2 semaphore(%run_scoped3A : memref<!tpu.dma_semaphore, #tpu.memory_space<semaphore_mem>>) src(%dma_wait3A_22 : memref<79x128xi32, #tpu.memory_space<hbm>>) dst(%arg10 : memref<79x128xi32, #tpu.memory_space<vmem>>)
      tpu.yield
    }) : () -> ()
    "tpu.region"() ({
      %run_scoped3A = tpu.sem_alloc : memref<!tpu.dma_semaphore, #tpu.memory_space<semaphore_mem>>
      %dma_start3A = arith.constant 0 : i32
      %dma_start3A_9 = arith.constant 0 : i32
      %dma_start3A_10 = tpu.memref_slice %arg4[%add3A, %dma_start3A, %dma_start3A_9] : memref<32x79x128xi32, #tpu.memory_space<hbm>> -> memref<1x79x128xi32, #tpu.memory_space<hbm>>
      %dma_start3A_11 = tpu.memref_squeeze %dma_start3A_10 : memref<1x79x128xi32, #tpu.memory_space<hbm>> -> memref<79x128xi32, #tpu.memory_space<hbm>>
      %dma_start3A_12 = arith.constant 0 : i32
      %dma_start3A_13 = arith.constant 0 : i32
      %dma_start3A_14 = tpu.memref_slice %arg4[%add3A, %dma_start3A_12, %dma_start3A_13] : memref<32x79x128xi32, #tpu.memory_space<hbm>> -> memref<1x79x128xi32, #tpu.memory_space<hbm>>
      %dma_start3A_15 = tpu.memref_squeeze %dma_start3A_14 : memref<1x79x128xi32, #tpu.memory_space<hbm>> -> memref<79x128xi32, #tpu.memory_space<hbm>>
      tpu.enqueue_dma source(%dma_start3A_15 : memref<79x128xi32, #tpu.memory_space<hbm>>) target(%arg11 : memref<79x128xi32, #tpu.memory_space<vmem>>) target_semaphore(%run_scoped3A : memref<!tpu.dma_semaphore, #tpu.memory_space<semaphore_mem>>)
      %dma_wait3A = arith.constant 0 : i32
      %dma_wait3A_16 = arith.constant 0 : i32
      %dma_wait3A_17 = tpu.memref_slice %arg4[%add3A, %dma_wait3A, %dma_wait3A_16] : memref<32x79x128xi32, #tpu.memory_space<hbm>> -> memref<1x79x128xi32, #tpu.memory_space<hbm>>
      %dma_wait3A_18 = tpu.memref_squeeze %dma_wait3A_17 : memref<1x79x128xi32, #tpu.memory_space<hbm>> -> memref<79x128xi32, #tpu.memory_space<hbm>>
      %dma_wait3A_19 = arith.constant 0 : i32
      %dma_wait3A_20 = arith.constant 0 : i32
      %dma_wait3A_21 = tpu.memref_slice %arg4[%add3A, %dma_wait3A_19, %dma_wait3A_20] : memref<32x79x128xi32, #tpu.memory_space<hbm>> -> memref<1x79x128xi32, #tpu.memory_space<hbm>>
      %dma_wait3A_22 = tpu.memref_squeeze %dma_wait3A_21 : memref<1x79x128xi32, #tpu.memory_space<hbm>> -> memref<79x128xi32, #tpu.memory_space<hbm>>
      tpu.wait_dma2 semaphore(%run_scoped3A : memref<!tpu.dma_semaphore, #tpu.memory_space<semaphore_mem>>) src(%dma_wait3A_22 : memref<79x128xi32, #tpu.memory_space<hbm>>) dst(%arg11 : memref<79x128xi32, #tpu.memory_space<vmem>>)
      tpu.yield
    }) : () -> ()
    "tpu.region"() ({
      %run_scoped3A = tpu.sem_alloc : memref<!tpu.dma_semaphore, #tpu.memory_space<semaphore_mem>>
      tpu.enqueue_dma source(%arg7 : memref<128xf32, #tpu.memory_space<hbm>>) target(%arg13 : memref<128xf32, #tpu.memory_space<vmem>>) target_semaphore(%run_scoped3A : memref<!tpu.dma_semaphore, #tpu.memory_space<semaphore_mem>>)
      tpu.wait_dma2 semaphore(%run_scoped3A : memref<!tpu.dma_semaphore, #tpu.memory_space<semaphore_mem>>) src(%arg7 : memref<128xf32, #tpu.memory_space<hbm>>) dst(%arg13 : memref<128xf32, #tpu.memory_space<vmem>>)
      tpu.yield
    }) : () -> ()
    "tpu.region"() ({
      %run_scoped3A = tpu.sem_alloc : memref<!tpu.dma_semaphore, #tpu.memory_space<semaphore_mem>>
      %dma_start3A = arith.constant 0 : i32
      %dma_start3A_9 = tpu.memref_slice %arg14[%mul3A_2, %dma_start3A] : memref<10240x128xf32, #tpu.memory_space<vmem_shared>> -> memref<640x128xf32, #tpu.memory_space<vmem_shared>>
      tpu.enqueue_dma source(%arg5 : memref<640x128xf32, #tpu.memory_space<hbm>>) target(%dma_start3A_9 : memref<640x128xf32, #tpu.memory_space<vmem_shared>>) target_semaphore(%run_scoped3A : memref<!tpu.dma_semaphore, #tpu.memory_space<semaphore_mem>>)
      %dma_wait3A = arith.constant 0 : i32
      %dma_wait3A_10 = tpu.memref_slice %arg14[%mul3A_2, %dma_wait3A] : memref<10240x128xf32, #tpu.memory_space<vmem_shared>> -> memref<640x128xf32, #tpu.memory_space<vmem_shared>>
      tpu.wait_dma2 semaphore(%run_scoped3A : memref<!tpu.dma_semaphore, #tpu.memory_space<semaphore_mem>>) src(%arg5 : memref<640x128xf32, #tpu.memory_space<hbm>>) dst(%dma_wait3A_10 : memref<640x128xf32, #tpu.memory_space<vmem_shared>>)
      tpu.yield
    }) : () -> ()
    "tpu.region"() ({
      %run_scoped3A = tpu.sem_alloc : memref<!tpu.dma_semaphore, #tpu.memory_space<semaphore_mem>>
      %dma_start3A = tpu.memref_slice %arg15[%mul3A_2] : memref<10240xf32, #tpu.memory_space<vmem_shared>> -> memref<640xf32, #tpu.memory_space<vmem_shared>>
      tpu.enqueue_dma source(%arg6 : memref<640xf32, #tpu.memory_space<hbm>>) target(%dma_start3A : memref<640xf32, #tpu.memory_space<vmem_shared>>) target_semaphore(%run_scoped3A : memref<!tpu.dma_semaphore, #tpu.memory_space<semaphore_mem>>)
      %dma_wait3A = tpu.memref_slice %arg15[%mul3A_2] : memref<10240xf32, #tpu.memory_space<vmem_shared>> -> memref<640xf32, #tpu.memory_space<vmem_shared>>
      tpu.wait_dma2 semaphore(%run_scoped3A : memref<!tpu.dma_semaphore, #tpu.memory_space<semaphore_mem>>) src(%arg6 : memref<640xf32, #tpu.memory_space<hbm>>) dst(%dma_wait3A : memref<640xf32, #tpu.memory_space<vmem_shared>>)
      tpu.yield
    }) : () -> ()
    %barrier3A = arith.constant 0 : index
    tpu.barrier barrier_id(%barrier3A)
    %scan3A = arith.constant 0 : i32
    %scan3A_3 = arith.constant 0 : i32
    %scan3A_4 = arith.constant 79 : i32
    %scan3A_5 = arith.addi %scan3A_3, %scan3A_4 : i32
    %scan3A_6 = arith.constant 1 : i32
    scf.for %scan3A_9 = %scan3A_3 to %scan3A_5 step %scan3A_6  : i32 {
      "tpu.region"() ({
        %run_scoped3A = tpu.sem_alloc : memref<!tpu.dma_semaphore, #tpu.memory_space<semaphore_mem>>
        %dma_start3A = arith.constant 0 : i32
        %dma_start3A_10 = tpu.memref_slice %arg10[%scan3A_9, %dma_start3A] : memref<79x128xi32, #tpu.memory_space<vmem>> -> memref<1x128xi32, #tpu.memory_space<vmem>>
        %dma_start3A_11 = tpu.memref_squeeze %dma_start3A_10 : memref<1x128xi32, #tpu.memory_space<vmem>> -> memref<128xi32, #tpu.memory_space<vmem>>
        %dma_start3A_12 = arith.constant 0 : i32
        %dma_start3A_13 = arith.constant 0 : i32
        %dma_start3A_14 = tpu.memref_slice %arg2[%dma_start3A_12, %dma_start3A_13] : memref<10240x128xf32, #tpu.memory_space<hbm>> -> memref<10240x128xf32, #tpu.memory_space<hbm>>
        tpu.enqueue_indirect_dma source(%dma_start3A_14 : memref<10240x128xf32, #tpu.memory_space<hbm>>) target(%arg12 : memref<128x128xf32, #tpu.memory_space<vmem>>) offsets(%dma_start3A_11 : memref<128xi32, #tpu.memory_space<vmem>>) semaphore(%run_scoped3A : memref<!tpu.dma_semaphore, #tpu.memory_space<semaphore_mem>>)
        %dma_wait3A = arith.constant 0 : i32
        %dma_wait3A_15 = tpu.memref_slice %arg10[%scan3A_9, %dma_wait3A] : memref<79x128xi32, #tpu.memory_space<vmem>> -> memref<1x128xi32, #tpu.memory_space<vmem>>
        %dma_wait3A_16 = tpu.memref_squeeze %dma_wait3A_15 : memref<1x128xi32, #tpu.memory_space<vmem>> -> memref<128xi32, #tpu.memory_space<vmem>>
        %dma_wait3A_17 = arith.constant 0 : i32
        %dma_wait3A_18 = arith.constant 0 : i32
        %dma_wait3A_19 = tpu.memref_slice %arg2[%dma_wait3A_17, %dma_wait3A_18] : memref<10240x128xf32, #tpu.memory_space<hbm>> -> memref<10240x128xf32, #tpu.memory_space<hbm>>
        tpu.wait_indirect_dma semaphore(%run_scoped3A : memref<!tpu.dma_semaphore, #tpu.memory_space<semaphore_mem>>) src(%dma_wait3A_19 : memref<10240x128xf32, #tpu.memory_space<hbm>>) dst(%arg12 : memref<128x128xf32, #tpu.memory_space<vmem>>)
        tpu.yield
      }) : () -> ()
      "tpu.region"() ({
        %run_scoped3A = tpu.sem_alloc : memref<!tpu.dma_semaphore, #tpu.memory_space<semaphore_mem>>
        %dma_start3A = arith.constant 0 : i32
        %dma_start3A_10 = tpu.memref_slice %arg11[%scan3A_9, %dma_start3A] : memref<79x128xi32, #tpu.memory_space<vmem>> -> memref<1x128xi32, #tpu.memory_space<vmem>>
        %dma_start3A_11 = tpu.memref_squeeze %dma_start3A_10 : memref<1x128xi32, #tpu.memory_space<vmem>> -> memref<128xi32, #tpu.memory_space<vmem>>
        %dma_start3A_12 = arith.constant 0 : i32
        %dma_start3A_13 = arith.constant 0 : i32
        %dma_start3A_14 = tpu.memref_slice %arg14[%dma_start3A_12, %dma_start3A_13] : memref<10240x128xf32, #tpu.memory_space<vmem_shared>> -> memref<10240x128xf32, #tpu.memory_space<vmem_shared>>
        tpu.enqueue_indirect_dma source(%arg12 : memref<128x128xf32, #tpu.memory_space<vmem>>) target(%dma_start3A_14 : memref<10240x128xf32, #tpu.memory_space<vmem_shared>>) offsets(%dma_start3A_11 : memref<128xi32, #tpu.memory_space<vmem>>) semaphore(%run_scoped3A : memref<!tpu.dma_semaphore, #tpu.memory_space<semaphore_mem>>) {add = true}
        %dma_wait3A = arith.constant 0 : i32
        %dma_wait3A_15 = tpu.memref_slice %arg11[%scan3A_9, %dma_wait3A] : memref<79x128xi32, #tpu.memory_space<vmem>> -> memref<1x128xi32, #tpu.memory_space<vmem>>
        %dma_wait3A_16 = tpu.memref_squeeze %dma_wait3A_15 : memref<1x128xi32, #tpu.memory_space<vmem>> -> memref<128xi32, #tpu.memory_space<vmem>>
        %dma_wait3A_17 = arith.constant 0 : i32
        %dma_wait3A_18 = arith.constant 0 : i32
        %dma_wait3A_19 = tpu.memref_slice %arg14[%dma_wait3A_17, %dma_wait3A_18] : memref<10240x128xf32, #tpu.memory_space<vmem_shared>> -> memref<10240x128xf32, #tpu.memory_space<vmem_shared>>
        tpu.wait_indirect_dma semaphore(%run_scoped3A : memref<!tpu.dma_semaphore, #tpu.memory_space<semaphore_mem>>) src(%arg12 : memref<128x128xf32, #tpu.memory_space<vmem>>) dst(%dma_wait3A_19 : memref<10240x128xf32, #tpu.memory_space<vmem_shared>>)
        tpu.yield
      }) : () -> ()
      "tpu.region"() ({
        %run_scoped3A = tpu.sem_alloc : memref<!tpu.dma_semaphore, #tpu.memory_space<semaphore_mem>>
        %dma_start3A = arith.constant 0 : i32
        %dma_start3A_10 = tpu.memref_slice %arg11[%scan3A_9, %dma_start3A] : memref<79x128xi32, #tpu.memory_space<vmem>> -> memref<1x128xi32, #tpu.memory_space<vmem>>
        %dma_start3A_11 = tpu.memref_squeeze %dma_start3A_10 : memref<1x128xi32, #tpu.memory_space<vmem>> -> memref<128xi32, #tpu.memory_space<vmem>>
        %dma_start3A_12 = arith.constant 0 : i32
        %dma_start3A_13 = tpu.memref_slice %arg15[%dma_start3A_12] : memref<10240xf32, #tpu.memory_space<vmem_shared>> -> memref<10240xf32, #tpu.memory_space<vmem_shared>>
        tpu.enqueue_indirect_dma source(%arg13 : memref<128xf32, #tpu.memory_space<vmem>>) target(%dma_start3A_13 : memref<10240xf32, #tpu.memory_space<vmem_shared>>) offsets(%dma_start3A_11 : memref<128xi32, #tpu.memory_space<vmem>>) semaphore(%run_scoped3A : memref<!tpu.dma_semaphore, #tpu.memory_space<semaphore_mem>>) {add = true}
        %dma_wait3A = arith.constant 0 : i32
        %dma_wait3A_14 = tpu.memref_slice %arg11[%scan3A_9, %dma_wait3A] : memref<79x128xi32, #tpu.memory_space<vmem>> -> memref<1x128xi32, #tpu.memory_space<vmem>>
        %dma_wait3A_15 = tpu.memref_squeeze %dma_wait3A_14 : memref<1x128xi32, #tpu.memory_space<vmem>> -> memref<128xi32, #tpu.memory_space<vmem>>
        %dma_wait3A_16 = arith.constant 0 : i32
        %dma_wait3A_17 = tpu.memref_slice %arg15[%dma_wait3A_16] : memref<10240xf32, #tpu.memory_space<vmem_shared>> -> memref<10240xf32, #tpu.memory_space<vmem_shared>>
        tpu.wait_indirect_dma semaphore(%run_scoped3A : memref<!tpu.dma_semaphore, #tpu.memory_space<semaphore_mem>>) src(%arg13 : memref<128xf32, #tpu.memory_space<vmem>>) dst(%dma_wait3A_17 : memref<10240xf32, #tpu.memory_space<vmem_shared>>)
        tpu.yield
      }) : () -> ()
    }
    %scan3A_7 = arith.constant 79 : i32
    %barrier3A_8 = arith.constant 0 : index
    tpu.barrier barrier_id(%barrier3A_8)
    "tpu.region"() ({
      %run_scoped3A = tpu.sem_alloc : memref<!tpu.dma_semaphore, #tpu.memory_space<semaphore_mem>>
      %dma_start3A = arith.constant 0 : i32
      %dma_start3A_9 = tpu.memref_slice %arg8[%arg0, %mul3A_2, %dma_start3A] : memref<2x10240x128xf32, #tpu.memory_space<hbm>> -> memref<1x640x128xf32, #tpu.memory_space<hbm>>
      %dma_start3A_10 = tpu.memref_squeeze %dma_start3A_9 : memref<1x640x128xf32, #tpu.memory_space<hbm>> -> memref<640x128xf32, #tpu.memory_space<hbm>>
      %dma_start3A_11 = arith.constant 0 : i32
      %dma_start3A_12 = tpu.memref_slice %arg14[%mul3A_2, %dma_start3A_11] : memref<10240x128xf32, #tpu.memory_space<vmem_shared>> -> memref<640x128xf32, #tpu.memory_space<vmem_shared>>
      tpu.enqueue_dma source(%dma_start3A_12 : memref<640x128xf32, #tpu.memory_space<vmem_shared>>) target(%dma_start3A_10 : memref<640x128xf32, #tpu.memory_space<hbm>>) target_semaphore(%run_scoped3A : memref<!tpu.dma_semaphore, #tpu.memory_space<semaphore_mem>>)
      %dma_wait3A = arith.constant 0 : i32
      %dma_wait3A_13 = tpu.memref_slice %arg8[%arg0, %mul3A_2, %dma_wait3A] : memref<2x10240x128xf32, #tpu.memory_space<hbm>> -> memref<1x640x128xf32, #tpu.memory_space<hbm>>
      %dma_wait3A_14 = tpu.memref_squeeze %dma_wait3A_13 : memref<1x640x128xf32, #tpu.memory_space<hbm>> -> memref<640x128xf32, #tpu.memory_space<hbm>>
      %dma_wait3A_15 = arith.constant 0 : i32
      %dma_wait3A_16 = tpu.memref_slice %arg14[%mul3A_2, %dma_wait3A_15] : memref<10240x128xf32, #tpu.memory_space<vmem_shared>> -> memref<640x128xf32, #tpu.memory_space<vmem_shared>>
      tpu.wait_dma2 semaphore(%run_scoped3A : memref<!tpu.dma_semaphore, #tpu.memory_space<semaphore_mem>>) src(%dma_wait3A_16 : memref<640x128xf32, #tpu.memory_space<vmem_shared>>) dst(%dma_wait3A_14 : memref<640x128xf32, #tpu.memory_space<hbm>>)
      tpu.yield
    }) : () -> ()
    "tpu.region"() ({
      %run_scoped3A = tpu.sem_alloc : memref<!tpu.dma_semaphore, #tpu.memory_space<semaphore_mem>>
      %dma_start3A = tpu.memref_slice %arg9[%arg0, %mul3A_2] : memref<2x10240xf32, #tpu.memory_space<hbm>> -> memref<1x640xf32, #tpu.memory_space<hbm>>
      %dma_start3A_9 = tpu.memref_squeeze %dma_start3A : memref<1x640xf32, #tpu.memory_space<hbm>> -> memref<640xf32, #tpu.memory_space<hbm>>
      %dma_start3A_10 = tpu.memref_slice %arg15[%mul3A_2] : memref<10240xf32, #tpu.memory_space<vmem_shared>> -> memref<640xf32, #tpu.memory_space<vmem_shared>>
      tpu.enqueue_dma source(%dma_start3A_10 : memref<640xf32, #tpu.memory_space<vmem_shared>>) target(%dma_start3A_9 : memref<640xf32, #tpu.memory_space<hbm>>) target_semaphore(%run_scoped3A : memref<!tpu.dma_semaphore, #tpu.memory_space<semaphore_mem>>)
      %dma_wait3A = tpu.memref_slice %arg9[%arg0, %mul3A_2] : memref<2x10240xf32, #tpu.memory_space<hbm>> -> memref<1x640xf32, #tpu.memory_space<hbm>>
      %dma_wait3A_11 = tpu.memref_squeeze %dma_wait3A : memref<1x640xf32, #tpu.memory_space<hbm>> -> memref<640xf32, #tpu.memory_space<hbm>>
      %dma_wait3A_12 = tpu.memref_slice %arg15[%mul3A_2] : memref<10240xf32, #tpu.memory_space<vmem_shared>> -> memref<640xf32, #tpu.memory_space<vmem_shared>>
      tpu.wait_dma2 semaphore(%run_scoped3A : memref<!tpu.dma_semaphore, #tpu.memory_space<semaphore_mem>>) src(%dma_wait3A_12 : memref<640xf32, #tpu.memory_space<vmem_shared>>) dst(%dma_wait3A_11 : memref<640xf32, #tpu.memory_space<hbm>>)
      tpu.yield
    }) : () -> ()
    return
  }
}

#map = affine_map<(d0, d1) -> (0, 0)>
#map1 = affine_map<(d0, d1) -> (0, 0, 0)>
#map2 = affine_map<(d0, d1) -> (0)>
module attributes {stable_mosaic.version = 14 : i64} {
  func.func @_sage_body(%arg0: i32, %arg1: i32, %arg2: memref<10240x128xf32, #tpu.memory_space<hbm>>, %arg3: memref<32x79x128xi32, #tpu.memory_space<hbm>>, %arg4: memref<32x79x128xi32, #tpu.memory_space<hbm>>, %arg5: memref<640x128xf32, #tpu.memory_space<hbm>>, %arg6: memref<640xf32, #tpu.memory_space<hbm>>, %arg7: memref<128xf32, #tpu.memory_space<hbm>>, %arg8: memref<2x10240x128xf32, #tpu.memory_space<hbm>>, %arg9: memref<2x10240xf32, #tpu.memory_space<hbm>>, %arg10: memref<79x128xi32, #tpu.memory_space<vmem>>, %arg11: memref<79x128xi32, #tpu.memory_space<vmem>>, %arg12: memref<128x128xf32, #tpu.memory_space<vmem>>, %arg13: memref<128xf32, #tpu.memory_space<vmem>>, %arg14: memref<10240x128xf32, #tpu.memory_space<vmem_shared>>, %arg15: memref<10240xf32, #tpu.memory_space<vmem_shared>>) attributes {dimension_semantics = [#tpu.dimension_semantics<core_parallel>, #tpu.dimension_semantics<subcore_parallel>], iteration_bounds = array<i64: 2, 16>, scalar_prefetch = 0 : i64, scratch_operands = 6 : i64, tpu.core_type = #tpu.core_type<sc_vector_subcore>, window_params = [{transform_indices = #map}, {transform_indices = #map1}, {transform_indices = #map1}, {transform_indices = #map}, {transform_indices = #map2}, {transform_indices = #map2}, {transform_indices = #map1}, {transform_indices = #map}]} {
    %mul3A = arith.constant 2 : i32
    %mul3A_0 = arith.muli %arg1, %mul3A : i32
    %add3A = arith.addi %mul3A_0, %arg0 : i32
    %mul3A_1 = arith.constant 640 : i32
    %mul3A_2 = arith.muli %arg1, %mul3A_1 : i32
    "tpu.region"() ({
      %run_scoped3A = tpu.sem_alloc : memref<!tpu.dma_semaphore, #tpu.memory_space<semaphore_mem>>
      %dma_start3A = arith.constant 0 : i32
      %dma_start3A_9 = arith.constant 0 : i32
      %dma_start3A_10 = tpu.memref_slice %arg3[%add3A, %dma_start3A, %dma_start3A_9] : memref<32x79x128xi32, #tpu.memory_space<hbm>> -> memref<1x79x128xi32, #tpu.memory_space<hbm>>
      %dma_start3A_11 = tpu.memref_squeeze %dma_start3A_10 : memref<1x79x128xi32, #tpu.memory_space<hbm>> -> memref<79x128xi32, #tpu.memory_space<hbm>>
      %dma_start3A_12 = arith.constant 0 : i32
      %dma_start3A_13 = arith.constant 0 : i32
      %dma_start3A_14 = tpu.memref_slice %arg3[%add3A, %dma_start3A_12, %dma_start3A_13] : memref<32x79x128xi32, #tpu.memory_space<hbm>> -> memref<1x79x128xi32, #tpu.memory_space<hbm>>
      %dma_start3A_15 = tpu.memref_squeeze %dma_start3A_14 : memref<1x79x128xi32, #tpu.memory_space<hbm>> -> memref<79x128xi32, #tpu.memory_space<hbm>>
      tpu.enqueue_dma source(%dma_start3A_15 : memref<79x128xi32, #tpu.memory_space<hbm>>) target(%arg10 : memref<79x128xi32, #tpu.memory_space<vmem>>) target_semaphore(%run_scoped3A : memref<!tpu.dma_semaphore, #tpu.memory_space<semaphore_mem>>)
      %dma_wait3A = arith.constant 0 : i32
      %dma_wait3A_16 = arith.constant 0 : i32
      %dma_wait3A_17 = tpu.memref_slice %arg3[%add3A, %dma_wait3A, %dma_wait3A_16] : memref<32x79x128xi32, #tpu.memory_space<hbm>> -> memref<1x79x128xi32, #tpu.memory_space<hbm>>
      %dma_wait3A_18 = tpu.memref_squeeze %dma_wait3A_17 : memref<1x79x128xi32, #tpu.memory_space<hbm>> -> memref<79x128xi32, #tpu.memory_space<hbm>>
      %dma_wait3A_19 = arith.constant 0 : i32
      %dma_wait3A_20 = arith.constant 0 : i32
      %dma_wait3A_21 = tpu.memref_slice %arg3[%add3A, %dma_wait3A_19, %dma_wait3A_20] : memref<32x79x128xi32, #tpu.memory_space<hbm>> -> memref<1x79x128xi32, #tpu.memory_space<hbm>>
      %dma_wait3A_22 = tpu.memref_squeeze %dma_wait3A_21 : memref<1x79x128xi32, #tpu.memory_space<hbm>> -> memref<79x128xi32, #tpu.memory_space<hbm>>
      tpu.wait_dma2 semaphore(%run_scoped3A : memref<!tpu.dma_semaphore, #tpu.memory_space<semaphore_mem>>) src(%dma_wait3A_22 : memref<79x128xi32, #tpu.memory_space<hbm>>) dst(%arg10 : memref<79x128xi32, #tpu.memory_space<vmem>>)
      tpu.yield
    }) : () -> ()
    "tpu.region"() ({
      %run_scoped3A = tpu.sem_alloc : memref<!tpu.dma_semaphore, #tpu.memory_space<semaphore_mem>>
      %dma_start3A = arith.constant 0 : i32
      %dma_start3A_9 = arith.constant 0 : i32
      %dma_start3A_10 = tpu.memref_slice %arg4[%add3A, %dma_start3A, %dma_start3A_9] : memref<32x79x128xi32, #tpu.memory_space<hbm>> -> memref<1x79x128xi32, #tpu.memory_space<hbm>>
      %dma_start3A_11 = tpu.memref_squeeze %dma_start3A_10 : memref<1x79x128xi32, #tpu.memory_space<hbm>> -> memref<79x128xi32, #tpu.memory_space<hbm>>
      %dma_start3A_12 = arith.constant 0 : i32
      %dma_start3A_13 = arith.constant 0 : i32
      %dma_start3A_14 = tpu.memref_slice %arg4[%add3A, %dma_start3A_12, %dma_start3A_13] : memref<32x79x128xi32, #tpu.memory_space<hbm>> -> memref<1x79x128xi32, #tpu.memory_space<hbm>>
      %dma_start3A_15 = tpu.memref_squeeze %dma_start3A_14 : memref<1x79x128xi32, #tpu.memory_space<hbm>> -> memref<79x128xi32, #tpu.memory_space<hbm>>
      tpu.enqueue_dma source(%dma_start3A_15 : memref<79x128xi32, #tpu.memory_space<hbm>>) target(%arg11 : memref<79x128xi32, #tpu.memory_space<vmem>>) target_semaphore(%run_scoped3A : memref<!tpu.dma_semaphore, #tpu.memory_space<semaphore_mem>>)
      %dma_wait3A = arith.constant 0 : i32
      %dma_wait3A_16 = arith.constant 0 : i32
      %dma_wait3A_17 = tpu.memref_slice %arg4[%add3A, %dma_wait3A, %dma_wait3A_16] : memref<32x79x128xi32, #tpu.memory_space<hbm>> -> memref<1x79x128xi32, #tpu.memory_space<hbm>>
      %dma_wait3A_18 = tpu.memref_squeeze %dma_wait3A_17 : memref<1x79x128xi32, #tpu.memory_space<hbm>> -> memref<79x128xi32, #tpu.memory_space<hbm>>
      %dma_wait3A_19 = arith.constant 0 : i32
      %dma_wait3A_20 = arith.constant 0 : i32
      %dma_wait3A_21 = tpu.memref_slice %arg4[%add3A, %dma_wait3A_19, %dma_wait3A_20] : memref<32x79x128xi32, #tpu.memory_space<hbm>> -> memref<1x79x128xi32, #tpu.memory_space<hbm>>
      %dma_wait3A_22 = tpu.memref_squeeze %dma_wait3A_21 : memref<1x79x128xi32, #tpu.memory_space<hbm>> -> memref<79x128xi32, #tpu.memory_space<hbm>>
      tpu.wait_dma2 semaphore(%run_scoped3A : memref<!tpu.dma_semaphore, #tpu.memory_space<semaphore_mem>>) src(%dma_wait3A_22 : memref<79x128xi32, #tpu.memory_space<hbm>>) dst(%arg11 : memref<79x128xi32, #tpu.memory_space<vmem>>)
      tpu.yield
    }) : () -> ()
    "tpu.region"() ({
      %run_scoped3A = tpu.sem_alloc : memref<!tpu.dma_semaphore, #tpu.memory_space<semaphore_mem>>
      tpu.enqueue_dma source(%arg7 : memref<128xf32, #tpu.memory_space<hbm>>) target(%arg13 : memref<128xf32, #tpu.memory_space<vmem>>) target_semaphore(%run_scoped3A : memref<!tpu.dma_semaphore, #tpu.memory_space<semaphore_mem>>)
      tpu.wait_dma2 semaphore(%run_scoped3A : memref<!tpu.dma_semaphore, #tpu.memory_space<semaphore_mem>>) src(%arg7 : memref<128xf32, #tpu.memory_space<hbm>>) dst(%arg13 : memref<128xf32, #tpu.memory_space<vmem>>)
      tpu.yield
    }) : () -> ()
    "tpu.region"() ({
      %run_scoped3A = tpu.sem_alloc : memref<!tpu.dma_semaphore, #tpu.memory_space<semaphore_mem>>
      %dma_start3A = arith.constant 0 : i32
      %dma_start3A_9 = tpu.memref_slice %arg14[%mul3A_2, %dma_start3A] : memref<10240x128xf32, #tpu.memory_space<vmem_shared>> -> memref<640x128xf32, #tpu.memory_space<vmem_shared>>
      tpu.enqueue_dma source(%arg5 : memref<640x128xf32, #tpu.memory_space<hbm>>) target(%dma_start3A_9 : memref<640x128xf32, #tpu.memory_space<vmem_shared>>) target_semaphore(%run_scoped3A : memref<!tpu.dma_semaphore, #tpu.memory_space<semaphore_mem>>)
      %dma_wait3A = arith.constant 0 : i32
      %dma_wait3A_10 = tpu.memref_slice %arg14[%mul3A_2, %dma_wait3A] : memref<10240x128xf32, #tpu.memory_space<vmem_shared>> -> memref<640x128xf32, #tpu.memory_space<vmem_shared>>
      tpu.wait_dma2 semaphore(%run_scoped3A : memref<!tpu.dma_semaphore, #tpu.memory_space<semaphore_mem>>) src(%arg5 : memref<640x128xf32, #tpu.memory_space<hbm>>) dst(%dma_wait3A_10 : memref<640x128xf32, #tpu.memory_space<vmem_shared>>)
      tpu.yield
    }) : () -> ()
    "tpu.region"() ({
      %run_scoped3A = tpu.sem_alloc : memref<!tpu.dma_semaphore, #tpu.memory_space<semaphore_mem>>
      %dma_start3A = tpu.memref_slice %arg15[%mul3A_2] : memref<10240xf32, #tpu.memory_space<vmem_shared>> -> memref<640xf32, #tpu.memory_space<vmem_shared>>
      tpu.enqueue_dma source(%arg6 : memref<640xf32, #tpu.memory_space<hbm>>) target(%dma_start3A : memref<640xf32, #tpu.memory_space<vmem_shared>>) target_semaphore(%run_scoped3A : memref<!tpu.dma_semaphore, #tpu.memory_space<semaphore_mem>>)
      %dma_wait3A = tpu.memref_slice %arg15[%mul3A_2] : memref<10240xf32, #tpu.memory_space<vmem_shared>> -> memref<640xf32, #tpu.memory_space<vmem_shared>>
      tpu.wait_dma2 semaphore(%run_scoped3A : memref<!tpu.dma_semaphore, #tpu.memory_space<semaphore_mem>>) src(%arg6 : memref<640xf32, #tpu.memory_space<hbm>>) dst(%dma_wait3A : memref<640xf32, #tpu.memory_space<vmem_shared>>)
      tpu.yield
    }) : () -> ()
    %barrier3A = arith.constant 0 : index
    tpu.barrier barrier_id(%barrier3A)
    %scan3A = arith.constant 0 : i32
    %scan3A_3 = arith.constant 0 : i32
    %scan3A_4 = arith.constant 79 : i32
    %scan3A_5 = arith.addi %scan3A_3, %scan3A_4 : i32
    %scan3A_6 = arith.constant 1 : i32
    scf.for %scan3A_9 = %scan3A_3 to %scan3A_5 step %scan3A_6  : i32 {
      "tpu.region"() ({
        %run_scoped3A = tpu.sem_alloc : memref<!tpu.dma_semaphore, #tpu.memory_space<semaphore_mem>>
        %dma_start3A = arith.constant 0 : i32
        %dma_start3A_10 = tpu.memref_slice %arg10[%scan3A_9, %dma_start3A] : memref<79x128xi32, #tpu.memory_space<vmem>> -> memref<1x128xi32, #tpu.memory_space<vmem>>
        %dma_start3A_11 = tpu.memref_squeeze %dma_start3A_10 : memref<1x128xi32, #tpu.memory_space<vmem>> -> memref<128xi32, #tpu.memory_space<vmem>>
        %dma_start3A_12 = arith.constant 0 : i32
        %dma_start3A_13 = arith.constant 0 : i32
        %dma_start3A_14 = tpu.memref_slice %arg2[%dma_start3A_12, %dma_start3A_13] : memref<10240x128xf32, #tpu.memory_space<hbm>> -> memref<10240x128xf32, #tpu.memory_space<hbm>>
        tpu.enqueue_indirect_dma source(%dma_start3A_14 : memref<10240x128xf32, #tpu.memory_space<hbm>>) target(%arg12 : memref<128x128xf32, #tpu.memory_space<vmem>>) offsets(%dma_start3A_11 : memref<128xi32, #tpu.memory_space<vmem>>) semaphore(%run_scoped3A : memref<!tpu.dma_semaphore, #tpu.memory_space<semaphore_mem>>)
        %dma_wait3A = arith.constant 0 : i32
        %dma_wait3A_15 = tpu.memref_slice %arg10[%scan3A_9, %dma_wait3A] : memref<79x128xi32, #tpu.memory_space<vmem>> -> memref<1x128xi32, #tpu.memory_space<vmem>>
        %dma_wait3A_16 = tpu.memref_squeeze %dma_wait3A_15 : memref<1x128xi32, #tpu.memory_space<vmem>> -> memref<128xi32, #tpu.memory_space<vmem>>
        %dma_wait3A_17 = arith.constant 0 : i32
        %dma_wait3A_18 = arith.constant 0 : i32
        %dma_wait3A_19 = tpu.memref_slice %arg2[%dma_wait3A_17, %dma_wait3A_18] : memref<10240x128xf32, #tpu.memory_space<hbm>> -> memref<10240x128xf32, #tpu.memory_space<hbm>>
        tpu.wait_indirect_dma semaphore(%run_scoped3A : memref<!tpu.dma_semaphore, #tpu.memory_space<semaphore_mem>>) src(%dma_wait3A_19 : memref<10240x128xf32, #tpu.memory_space<hbm>>) dst(%arg12 : memref<128x128xf32, #tpu.memory_space<vmem>>)
        tpu.yield
      }) : () -> ()
      "tpu.region"() ({
        %run_scoped3A = tpu.sem_alloc : memref<!tpu.dma_semaphore, #tpu.memory_space<semaphore_mem>>
        %dma_start3A = arith.constant 0 : i32
        %dma_start3A_10 = tpu.memref_slice %arg11[%scan3A_9, %dma_start3A] : memref<79x128xi32, #tpu.memory_space<vmem>> -> memref<1x128xi32, #tpu.memory_space<vmem>>
        %dma_start3A_11 = tpu.memref_squeeze %dma_start3A_10 : memref<1x128xi32, #tpu.memory_space<vmem>> -> memref<128xi32, #tpu.memory_space<vmem>>
        %dma_start3A_12 = arith.constant 0 : i32
        %dma_start3A_13 = arith.constant 0 : i32
        %dma_start3A_14 = tpu.memref_slice %arg14[%dma_start3A_12, %dma_start3A_13] : memref<10240x128xf32, #tpu.memory_space<vmem_shared>> -> memref<10240x128xf32, #tpu.memory_space<vmem_shared>>
        tpu.enqueue_indirect_dma source(%arg12 : memref<128x128xf32, #tpu.memory_space<vmem>>) target(%dma_start3A_14 : memref<10240x128xf32, #tpu.memory_space<vmem_shared>>) offsets(%dma_start3A_11 : memref<128xi32, #tpu.memory_space<vmem>>) semaphore(%run_scoped3A : memref<!tpu.dma_semaphore, #tpu.memory_space<semaphore_mem>>) {add = true}
        %dma_wait3A = arith.constant 0 : i32
        %dma_wait3A_15 = tpu.memref_slice %arg11[%scan3A_9, %dma_wait3A] : memref<79x128xi32, #tpu.memory_space<vmem>> -> memref<1x128xi32, #tpu.memory_space<vmem>>
        %dma_wait3A_16 = tpu.memref_squeeze %dma_wait3A_15 : memref<1x128xi32, #tpu.memory_space<vmem>> -> memref<128xi32, #tpu.memory_space<vmem>>
        %dma_wait3A_17 = arith.constant 0 : i32
        %dma_wait3A_18 = arith.constant 0 : i32
        %dma_wait3A_19 = tpu.memref_slice %arg14[%dma_wait3A_17, %dma_wait3A_18] : memref<10240x128xf32, #tpu.memory_space<vmem_shared>> -> memref<10240x128xf32, #tpu.memory_space<vmem_shared>>
        tpu.wait_indirect_dma semaphore(%run_scoped3A : memref<!tpu.dma_semaphore, #tpu.memory_space<semaphore_mem>>) src(%arg12 : memref<128x128xf32, #tpu.memory_space<vmem>>) dst(%dma_wait3A_19 : memref<10240x128xf32, #tpu.memory_space<vmem_shared>>)
        tpu.yield
      }) : () -> ()
      "tpu.region"() ({
        %run_scoped3A = tpu.sem_alloc : memref<!tpu.dma_semaphore, #tpu.memory_space<semaphore_mem>>
        %dma_start3A = arith.constant 0 : i32
        %dma_start3A_10 = tpu.memref_slice %arg11[%scan3A_9, %dma_start3A] : memref<79x128xi32, #tpu.memory_space<vmem>> -> memref<1x128xi32, #tpu.memory_space<vmem>>
        %dma_start3A_11 = tpu.memref_squeeze %dma_start3A_10 : memref<1x128xi32, #tpu.memory_space<vmem>> -> memref<128xi32, #tpu.memory_space<vmem>>
        %dma_start3A_12 = arith.constant 0 : i32
        %dma_start3A_13 = tpu.memref_slice %arg15[%dma_start3A_12] : memref<10240xf32, #tpu.memory_space<vmem_shared>> -> memref<10240xf32, #tpu.memory_space<vmem_shared>>
        tpu.enqueue_indirect_dma source(%arg13 : memref<128xf32, #tpu.memory_space<vmem>>) target(%dma_start3A_13 : memref<10240xf32, #tpu.memory_space<vmem_shared>>) offsets(%dma_start3A_11 : memref<128xi32, #tpu.memory_space<vmem>>) semaphore(%run_scoped3A : memref<!tpu.dma_semaphore, #tpu.memory_space<semaphore_mem>>) {add = true}
        %dma_wait3A = arith.constant 0 : i32
        %dma_wait3A_14 = tpu.memref_slice %arg11[%scan3A_9, %dma_wait3A] : memref<79x128xi32, #tpu.memory_space<vmem>> -> memref<1x128xi32, #tpu.memory_space<vmem>>
        %dma_wait3A_15 = tpu.memref_squeeze %dma_wait3A_14 : memref<1x128xi32, #tpu.memory_space<vmem>> -> memref<128xi32, #tpu.memory_space<vmem>>
        %dma_wait3A_16 = arith.constant 0 : i32
        %dma_wait3A_17 = tpu.memref_slice %arg15[%dma_wait3A_16] : memref<10240xf32, #tpu.memory_space<vmem_shared>> -> memref<10240xf32, #tpu.memory_space<vmem_shared>>
        tpu.wait_indirect_dma semaphore(%run_scoped3A : memref<!tpu.dma_semaphore, #tpu.memory_space<semaphore_mem>>) src(%arg13 : memref<128xf32, #tpu.memory_space<vmem>>) dst(%dma_wait3A_17 : memref<10240xf32, #tpu.memory_space<vmem_shared>>)
        tpu.yield
      }) : () -> ()
    }
    %scan3A_7 = arith.constant 79 : i32
    %barrier3A_8 = arith.constant 0 : index
    tpu.barrier barrier_id(%barrier3A_8)
    "tpu.region"() ({
      %run_scoped3A = tpu.sem_alloc : memref<!tpu.dma_semaphore, #tpu.memory_space<semaphore_mem>>
      %dma_start3A = arith.constant 0 : i32
      %dma_start3A_9 = tpu.memref_slice %arg8[%arg0, %mul3A_2, %dma_start3A] : memref<2x10240x128xf32, #tpu.memory_space<hbm>> -> memref<1x640x128xf32, #tpu.memory_space<hbm>>
      %dma_start3A_10 = tpu.memref_squeeze %dma_start3A_9 : memref<1x640x128xf32, #tpu.memory_space<hbm>> -> memref<640x128xf32, #tpu.memory_space<hbm>>
      %dma_start3A_11 = arith.constant 0 : i32
      %dma_start3A_12 = tpu.memref_slice %arg14[%mul3A_2, %dma_start3A_11] : memref<10240x128xf32, #tpu.memory_space<vmem_shared>> -> memref<640x128xf32, #tpu.memory_space<vmem_shared>>
      tpu.enqueue_dma source(%dma_start3A_12 : memref<640x128xf32, #tpu.memory_space<vmem_shared>>) target(%dma_start3A_10 : memref<640x128xf32, #tpu.memory_space<hbm>>) target_semaphore(%run_scoped3A : memref<!tpu.dma_semaphore, #tpu.memory_space<semaphore_mem>>)
      %dma_wait3A = arith.constant 0 : i32
      %dma_wait3A_13 = tpu.memref_slice %arg8[%arg0, %mul3A_2, %dma_wait3A] : memref<2x10240x128xf32, #tpu.memory_space<hbm>> -> memref<1x640x128xf32, #tpu.memory_space<hbm>>
      %dma_wait3A_14 = tpu.memref_squeeze %dma_wait3A_13 : memref<1x640x128xf32, #tpu.memory_space<hbm>> -> memref<640x128xf32, #tpu.memory_space<hbm>>
      %dma_wait3A_15 = arith.constant 0 : i32
      %dma_wait3A_16 = tpu.memref_slice %arg14[%mul3A_2, %dma_wait3A_15] : memref<10240x128xf32, #tpu.memory_space<vmem_shared>> -> memref<640x128xf32, #tpu.memory_space<vmem_shared>>
      tpu.wait_dma2 semaphore(%run_scoped3A : memref<!tpu.dma_semaphore, #tpu.memory_space<semaphore_mem>>) src(%dma_wait3A_16 : memref<640x128xf32, #tpu.memory_space<vmem_shared>>) dst(%dma_wait3A_14 : memref<640x128xf32, #tpu.memory_space<hbm>>)
      tpu.yield
    }) : () -> ()
    "tpu.region"() ({
      %run_scoped3A = tpu.sem_alloc : memref<!tpu.dma_semaphore, #tpu.memory_space<semaphore_mem>>
      %dma_start3A = tpu.memref_slice %arg9[%arg0, %mul3A_2] : memref<2x10240xf32, #tpu.memory_space<hbm>> -> memref<1x640xf32, #tpu.memory_space<hbm>>
      %dma_start3A_9 = tpu.memref_squeeze %dma_start3A : memref<1x640xf32, #tpu.memory_space<hbm>> -> memref<640xf32, #tpu.memory_space<hbm>>
      %dma_start3A_10 = tpu.memref_slice %arg15[%mul3A_2] : memref<10240xf32, #tpu.memory_space<vmem_shared>> -> memref<640xf32, #tpu.memory_space<vmem_shared>>
      tpu.enqueue_dma source(%dma_start3A_10 : memref<640xf32, #tpu.memory_space<vmem_shared>>) target(%dma_start3A_9 : memref<640xf32, #tpu.memory_space<hbm>>) target_semaphore(%run_scoped3A : memref<!tpu.dma_semaphore, #tpu.memory_space<semaphore_mem>>)
      %dma_wait3A = tpu.memref_slice %arg9[%arg0, %mul3A_2] : memref<2x10240xf32, #tpu.memory_space<hbm>> -> memref<1x640xf32, #tpu.memory_space<hbm>>
      %dma_wait3A_11 = tpu.memref_squeeze %dma_wait3A : memref<1x640xf32, #tpu.memory_space<hbm>> -> memref<640xf32, #tpu.memory_space<hbm>>
      %dma_wait3A_12 = tpu.memref_slice %arg15[%mul3A_2] : memref<10240xf32, #tpu.memory_space<vmem_shared>> -> memref<640xf32, #tpu.memory_space<vmem_shared>>
      tpu.wait_dma2 semaphore(%run_scoped3A : memref<!tpu.dma_semaphore, #tpu.memory_space<semaphore_mem>>) src(%dma_wait3A_12 : memref<640xf32, #tpu.memory_space<vmem_shared>>) dst(%dma_wait3A_11 : memref<640xf32, #tpu.memory_space<hbm>>)
      tpu.yield
    }) : () -> ()
    return
  }
}

module attributes {stable_mosaic.version = 14 : i64} {
  func.func @_tc1_body(%arg0: i32, %arg1: memref<2048x128xf32, #tpu.memory_space<vmem>>, %arg2: memref<2048x16xf32, #tpu.memory_space<vmem>>, %arg3: memref<16x128xf32, #tpu.memory_space<vmem>>, %arg4: memref<1x128xf32, #tpu.memory_space<vmem>>, %arg5: memref<128x128xf32, #tpu.memory_space<vmem>>, %arg6: memref<1x128xf32, #tpu.memory_space<vmem>>, %arg7: memref<128x128xf32, #tpu.memory_space<vmem>>, %arg8: memref<1x128xf32, #tpu.memory_space<vmem>>, %arg9: memref<128x128xf32, #tpu.memory_space<vmem>>, %arg10: memref<1x128xf32, #tpu.memory_space<vmem>>, %arg11: memref<2048x128xf32, #tpu.memory_space<vmem>>, %arg12: memref<2048x128xf32, #tpu.memory_space<vmem>>) attributes {dimension_semantics = [#tpu.dimension_semantics<arbitrary>], iteration_bounds = array<i64: 5>, scalar_prefetch = 0 : i64, scratch_operands = 0 : i64, tpu.core_type = #tpu.core_type<tc>, window_params = [{transform_indices = @transform_0, window_bounds = array<i64: 2048, 128>}, {transform_indices = @transform_1, window_bounds = array<i64: 2048, 16>}, {pipeline_mode = #tpu.pipeline_mode<synchronous>, transform_indices = @transform_2, window_bounds = array<i64: 16, 128>}, {pipeline_mode = #tpu.pipeline_mode<synchronous>, transform_indices = @transform_3, window_bounds = array<i64: 1, 128>}, {pipeline_mode = #tpu.pipeline_mode<synchronous>, transform_indices = @transform_4, window_bounds = array<i64: 128, 128>}, {pipeline_mode = #tpu.pipeline_mode<synchronous>, transform_indices = @transform_5, window_bounds = array<i64: 1, 128>}, {pipeline_mode = #tpu.pipeline_mode<synchronous>, transform_indices = @transform_6, window_bounds = array<i64: 128, 128>}, {pipeline_mode = #tpu.pipeline_mode<synchronous>, transform_indices = @transform_7, window_bounds = array<i64: 1, 128>}, {pipeline_mode = #tpu.pipeline_mode<synchronous>, transform_indices = @transform_8, window_bounds = array<i64: 128, 128>}, {pipeline_mode = #tpu.pipeline_mode<synchronous>, transform_indices = @transform_9, window_bounds = array<i64: 1, 128>}, {transform_indices = @transform_10, window_bounds = array<i64: 2048, 128>}, {transform_indices = @transform_11, window_bounds = array<i64: 2048, 128>}]} {
    %get3A = arith.constant 0 : index
    %get3A_0 = arith.constant 0 : index
    %get3A_1 = vector.load %arg2[%get3A, %get3A_0] : memref<2048x16xf32, #tpu.memory_space<vmem>>, vector<2048x16xf32>
    %get3A_2 = arith.constant 0 : index
    %get3A_3 = arith.constant 0 : index
    %get3A_4 = vector.load %arg3[%get3A_2, %get3A_3] : memref<16x128xf32, #tpu.memory_space<vmem>>, vector<16x128xf32>
    %dot_general3A = arith.constant dense<0.000000e+00> : vector<2048x128xf32>
    %dot_general3A_5 = tpu.matmul %get3A_1, %get3A_4, %dot_general3A {dimension_numbers = #tpu.dot_dimension_numbers<[1], [0], [0], [1], [0, 0, 1, 1], [], []>, transpose_lhs_hint = false} : vector<2048x16xf32>, vector<16x128xf32>, vector<2048x128xf32> -> vector<2048x128xf32>
    %get3A_6 = arith.constant 0 : index
    %get3A_7 = arith.constant 0 : index
    %get3A_8 = vector.load %arg4[%get3A_6, %get3A_7] : memref<1x128xf32, #tpu.memory_space<vmem>>, vector<1x128xf32>
    %add3A = vector.broadcast %get3A_8 : vector<1x128xf32> to vector<2048x128xf32>
    %add3A_9 = arith.addf %dot_general3A_5, %add3A : vector<2048x128xf32>
    %get3A_10 = arith.constant 0 : index
    %get3A_11 = arith.constant 0 : index
    %get3A_12 = vector.load %arg5[%get3A_10, %get3A_11] : memref<128x128xf32, #tpu.memory_space<vmem>>, vector<128x128xf32>
    %dot_general3A_13 = arith.constant dense<0.000000e+00> : vector<2048x128xf32>
    %dot_general3A_14 = tpu.matmul %add3A_9, %get3A_12, %dot_general3A_13 {dimension_numbers = #tpu.dot_dimension_numbers<[1], [0], [0], [1], [0, 0, 1, 1], [], []>, transpose_lhs_hint = false} : vector<2048x128xf32>, vector<128x128xf32>, vector<2048x128xf32> -> vector<2048x128xf32>
    %get3A_15 = arith.constant 0 : index
    %get3A_16 = arith.constant 0 : index
    %get3A_17 = vector.load %arg6[%get3A_15, %get3A_16] : memref<1x128xf32, #tpu.memory_space<vmem>>, vector<1x128xf32>
    %add3A_18 = vector.broadcast %get3A_17 : vector<1x128xf32> to vector<2048x128xf32>
    %add3A_19 = arith.addf %dot_general3A_14, %add3A_18 : vector<2048x128xf32>
    %max3A = arith.constant 0.000000e+00 : f32
    %max3A_20 = vector.broadcast %max3A : f32 to vector<2048x128xf32>
    %max3A_21 = arith.maximumf %add3A_19, %max3A_20 : vector<2048x128xf32>
    %get3A_22 = arith.constant 0 : index
    %get3A_23 = arith.constant 0 : index
    %get3A_24 = vector.load %arg7[%get3A_22, %get3A_23] : memref<128x128xf32, #tpu.memory_space<vmem>>, vector<128x128xf32>
    %dot_general3A_25 = arith.constant dense<0.000000e+00> : vector<2048x128xf32>
    %dot_general3A_26 = tpu.matmul %max3A_21, %get3A_24, %dot_general3A_25 {dimension_numbers = #tpu.dot_dimension_numbers<[1], [0], [0], [1], [0, 0, 1, 1], [], []>, transpose_lhs_hint = false} : vector<2048x128xf32>, vector<128x128xf32>, vector<2048x128xf32> -> vector<2048x128xf32>
    %get3A_27 = arith.constant 0 : index
    %get3A_28 = arith.constant 0 : index
    %get3A_29 = vector.load %arg8[%get3A_27, %get3A_28] : memref<1x128xf32, #tpu.memory_space<vmem>>, vector<1x128xf32>
    %add3A_30 = vector.broadcast %get3A_29 : vector<1x128xf32> to vector<2048x128xf32>
    %add3A_31 = arith.addf %dot_general3A_26, %add3A_30 : vector<2048x128xf32>
    %max3A_32 = arith.constant 0.000000e+00 : f32
    %max3A_33 = vector.broadcast %max3A_32 : f32 to vector<2048x128xf32>
    %max3A_34 = arith.maximumf %add3A_31, %max3A_33 : vector<2048x128xf32>
    %tanh3A = math.tanh %max3A_34 : vector<2048x128xf32>
    %swap3A = arith.constant 0 : index
    %swap3A_35 = arith.constant 0 : index
    %swap3A_36 = vector.load %arg12[%swap3A, %swap3A_35] : memref<2048x128xf32, #tpu.memory_space<vmem>>, vector<2048x128xf32>
    tpu.vector_store %arg12[%swap3A, %swap3A_35], %tanh3A {strides = array<i32>} : memref<2048x128xf32, #tpu.memory_space<vmem>>, vector<2048x128xf32>,
    %get3A_37 = arith.constant 0 : index
    %get3A_38 = arith.constant 0 : index
    %get3A_39 = vector.load %arg1[%get3A_37, %get3A_38] : memref<2048x128xf32, #tpu.memory_space<vmem>>, vector<2048x128xf32>
    %get3A_40 = arith.constant 0 : index
    %get3A_41 = arith.constant 0 : index
    %get3A_42 = vector.load %arg9[%get3A_40, %get3A_41] : memref<128x128xf32, #tpu.memory_space<vmem>>, vector<128x128xf32>
    %dot_general3A_43 = arith.constant dense<0.000000e+00> : vector<2048x128xf32>
    %dot_general3A_44 = tpu.matmul %get3A_39, %get3A_42, %dot_general3A_43 {dimension_numbers = #tpu.dot_dimension_numbers<[1], [0], [0], [1], [0, 0, 1, 1], [], []>, transpose_lhs_hint = false} : vector<2048x128xf32>, vector<128x128xf32>, vector<2048x128xf32> -> vector<2048x128xf32>
    %get3A_45 = arith.constant 0 : index
    %get3A_46 = arith.constant 0 : index
    %get3A_47 = vector.load %arg10[%get3A_45, %get3A_46] : memref<1x128xf32, #tpu.memory_space<vmem>>, vector<1x128xf32>
    %add3A_48 = vector.broadcast %get3A_47 : vector<1x128xf32> to vector<2048x128xf32>
    %add3A_49 = arith.addf %dot_general3A_44, %add3A_48 : vector<2048x128xf32>
    %mul3A = arith.constant 2048 : i32
    %mul3A_50 = arith.muli %arg0, %mul3A : i32
    %iota3A = tpu.iota {dimensions = array<i32: 0>} : vector<2048x128xi32>
    %add3A_51 = vector.broadcast %mul3A_50 : i32 to vector<2048x128xi32>
    %add3A_52 = arith.addi %add3A_51, %iota3A : vector<2048x128xi32>
    %lt3A = arith.constant 10000 : i32
    %lt3A_53 = vector.broadcast %lt3A : i32 to vector<2048x128xi32>
    %lt3A_54 = arith.cmpi slt, %add3A_52, %lt3A_53 : vector<2048x128xi32>
    %jit3A = arith.constant 0.000000e+00 : f32
    %broadcast_in_dim3A = vector.broadcast %jit3A : f32 to vector<2048x128xf32>
    %select_n3A = arith.select %lt3A_54, %add3A_49, %broadcast_in_dim3A : vector<2048x128xi1>, vector<2048x128xf32>
    %swap3A_55 = arith.constant 0 : index
    %swap3A_56 = arith.constant 0 : index
    %swap3A_57 = vector.load %arg11[%swap3A_55, %swap3A_56] : memref<2048x128xf32, #tpu.memory_space<vmem>>, vector<2048x128xf32>
    tpu.vector_store %arg11[%swap3A_55, %swap3A_56], %select_n3A {strides = array<i32>} : memref<2048x128xf32, #tpu.memory_space<vmem>>, vector<2048x128xf32>,
    return
  }
  func.func @transform_0(%arg0: i32) -> (i32, i32) {
    %c0_i32 = arith.constant 0 : i32
    %c0_i32_0 = arith.constant 0 : i32
    return %arg0, %c0_i32 : i32, i32
  }
  func.func @transform_1(%arg0: i32) -> (i32, i32) {
    %c0_i32 = arith.constant 0 : i32
    %c0_i32_0 = arith.constant 0 : i32
    return %arg0, %c0_i32 : i32, i32
  }
  func.func @transform_2(%arg0: i32) -> (i32, i32) {
    %c0_i32 = arith.constant 0 : i32
    %c0_i32_0 = arith.constant 0 : i32
    %c0_i32_1 = arith.constant 0 : i32
    return %c0_i32, %c0_i32_0 : i32, i32
  }
  func.func @transform_3(%arg0: i32) -> (i32, i32) {
    %c0_i32 = arith.constant 0 : i32
    %c0_i32_0 = arith.constant 0 : i32
    %c0_i32_1 = arith.constant 0 : i32
    return %c0_i32, %c0_i32_0 : i32, i32
  }
  func.func @transform_4(%arg0: i32) -> (i32, i32) {
    %c0_i32 = arith.constant 0 : i32
    %c0_i32_0 = arith.constant 0 : i32
    %c0_i32_1 = arith.constant 0 : i32
    return %c0_i32, %c0_i32_0 : i32, i32
  }
  func.func @transform_5(%arg0: i32) -> (i32, i32) {
    %c0_i32 = arith.constant 0 : i32
    %c0_i32_0 = arith.constant 0 : i32
    %c0_i32_1 = arith.constant 0 : i32
    return %c0_i32, %c0_i32_0 : i32, i32
  }
  func.func @transform_6(%arg0: i32) -> (i32, i32) {
    %c0_i32 = arith.constant 0 : i32
    %c0_i32_0 = arith.constant 0 : i32
    %c0_i32_1 = arith.constant 0 : i32
    return %c0_i32, %c0_i32_0 : i32, i32
  }
  func.func @transform_7(%arg0: i32) -> (i32, i32) {
    %c0_i32 = arith.constant 0 : i32
    %c0_i32_0 = arith.constant 0 : i32
    %c0_i32_1 = arith.constant 0 : i32
    return %c0_i32, %c0_i32_0 : i32, i32
  }
  func.func @transform_8(%arg0: i32) -> (i32, i32) {
    %c0_i32 = arith.constant 0 : i32
    %c0_i32_0 = arith.constant 0 : i32
    %c0_i32_1 = arith.constant 0 : i32
    return %c0_i32, %c0_i32_0 : i32, i32
  }
  func.func @transform_9(%arg0: i32) -> (i32, i32) {
    %c0_i32 = arith.constant 0 : i32
    %c0_i32_0 = arith.constant 0 : i32
    %c0_i32_1 = arith.constant 0 : i32
    return %c0_i32, %c0_i32_0 : i32, i32
  }
  func.func @transform_10(%arg0: i32) -> (i32, i32) {
    %c0_i32 = arith.constant 0 : i32
    %c0_i32_0 = arith.constant 0 : i32
    return %arg0, %c0_i32 : i32, i32
  }
  func.func @transform_11(%arg0: i32) -> (i32, i32) {
    %c0_i32 = arith.constant 0 : i32
    %c0_i32_0 = arith.constant 0 : i32
    return %arg0, %c0_i32 : i32, i32
  }
}

module attributes {stable_mosaic.version = 14 : i64} {
  func.func @_tc2_body(%arg0: i32, %arg1: memref<2048x128xf32, #tpu.memory_space<vmem>>, %arg2: memref<2048x128xf32, #tpu.memory_space<vmem>>, %arg3: memref<2048x1xf32, #tpu.memory_space<vmem>>, %arg4: memref<2048x1xf32, #tpu.memory_space<vmem>>, %arg5: memref<2048x128xf32, #tpu.memory_space<vmem>>, %arg6: memref<2048x128xf32, #tpu.memory_space<vmem>>, %arg7: memref<128x128xf32, #tpu.memory_space<vmem>>, %arg8: memref<1x128xf32, #tpu.memory_space<vmem>>, %arg9: memref<128x128xf32, #tpu.memory_space<vmem>>, %arg10: memref<2048x128xf32, #tpu.memory_space<vmem>>) attributes {dimension_semantics = [#tpu.dimension_semantics<arbitrary>], iteration_bounds = array<i64: 5>, scalar_prefetch = 0 : i64, scratch_operands = 0 : i64, tpu.core_type = #tpu.core_type<tc>, window_params = [{transform_indices = @transform_0, window_bounds = array<i64: 2048, 128>}, {transform_indices = @transform_1, window_bounds = array<i64: 2048, 128>}, {transform_indices = @transform_2, window_bounds = array<i64: 2048, 1>}, {transform_indices = @transform_3, window_bounds = array<i64: 2048, 1>}, {transform_indices = @transform_4, window_bounds = array<i64: 2048, 128>}, {transform_indices = @transform_5, window_bounds = array<i64: 2048, 128>}, {pipeline_mode = #tpu.pipeline_mode<synchronous>, transform_indices = @transform_6, window_bounds = array<i64: 128, 128>}, {pipeline_mode = #tpu.pipeline_mode<synchronous>, transform_indices = @transform_7, window_bounds = array<i64: 1, 128>}, {pipeline_mode = #tpu.pipeline_mode<synchronous>, transform_indices = @transform_8, window_bounds = array<i64: 128, 128>}, {transform_indices = @transform_9, window_bounds = array<i64: 2048, 128>}]} {
    %get3A = arith.constant 0 : index
    %get3A_0 = arith.constant 0 : index
    %get3A_1 = vector.load %arg3[%get3A, %get3A_0] : memref<2048x1xf32, #tpu.memory_space<vmem>>, vector<2048x1xf32>
    %get3A_2 = arith.constant 0 : index
    %get3A_3 = arith.constant 0 : index
    %get3A_4 = vector.load %arg4[%get3A_2, %get3A_3] : memref<2048x1xf32, #tpu.memory_space<vmem>>, vector<2048x1xf32>
    %add3A = arith.addf %get3A_1, %get3A_4 : vector<2048x1xf32>
    %max3A = arith.constant 1.000000e+00 : f32
    %max3A_5 = vector.broadcast %max3A : f32 to vector<2048x1xf32>
    %max3A_6 = arith.maximumf %add3A, %max3A_5 : vector<2048x1xf32>
    %get3A_7 = arith.constant 0 : index
    %get3A_8 = arith.constant 0 : index
    %get3A_9 = vector.load %arg1[%get3A_7, %get3A_8] : memref<2048x128xf32, #tpu.memory_space<vmem>>, vector<2048x128xf32>
    %get3A_10 = arith.constant 0 : index
    %get3A_11 = arith.constant 0 : index
    %get3A_12 = vector.load %arg2[%get3A_10, %get3A_11] : memref<2048x128xf32, #tpu.memory_space<vmem>>, vector<2048x128xf32>
    %add3A_13 = arith.addf %get3A_9, %get3A_12 : vector<2048x128xf32>
    %div3A = vector.broadcast %max3A_6 : vector<2048x1xf32> to vector<2048x128xf32>
    %div3A_14 = arith.divf %add3A_13, %div3A : vector<2048x128xf32>
    %get3A_15 = arith.constant 0 : index
    %get3A_16 = arith.constant 0 : index
    %get3A_17 = vector.load %arg7[%get3A_15, %get3A_16] : memref<128x128xf32, #tpu.memory_space<vmem>>, vector<128x128xf32>
    %dot_general3A = arith.constant dense<0.000000e+00> : vector<2048x128xf32>
    %dot_general3A_18 = tpu.matmul %div3A_14, %get3A_17, %dot_general3A {dimension_numbers = #tpu.dot_dimension_numbers<[1], [0], [0], [1], [0, 0, 1, 1], [], []>, transpose_lhs_hint = false} : vector<2048x128xf32>, vector<128x128xf32>, vector<2048x128xf32> -> vector<2048x128xf32>
    %get3A_19 = arith.constant 0 : index
    %get3A_20 = arith.constant 0 : index
    %get3A_21 = vector.load %arg8[%get3A_19, %get3A_20] : memref<1x128xf32, #tpu.memory_space<vmem>>, vector<1x128xf32>
    %add3A_22 = vector.broadcast %get3A_21 : vector<1x128xf32> to vector<2048x128xf32>
    %add3A_23 = arith.addf %dot_general3A_18, %add3A_22 : vector<2048x128xf32>
    %get3A_24 = arith.constant 0 : index
    %get3A_25 = arith.constant 0 : index
    %get3A_26 = vector.load %arg5[%get3A_24, %get3A_25] : memref<2048x128xf32, #tpu.memory_space<vmem>>, vector<2048x128xf32>
    %get3A_27 = arith.constant 0 : index
    %get3A_28 = arith.constant 0 : index
    %get3A_29 = vector.load %arg9[%get3A_27, %get3A_28] : memref<128x128xf32, #tpu.memory_space<vmem>>, vector<128x128xf32>
    %dot_general3A_30 = arith.constant dense<0.000000e+00> : vector<2048x128xf32>
    %dot_general3A_31 = tpu.matmul %get3A_26, %get3A_29, %dot_general3A_30 {dimension_numbers = #tpu.dot_dimension_numbers<[1], [0], [0], [1], [0, 0, 1, 1], [], []>, transpose_lhs_hint = false} : vector<2048x128xf32>, vector<128x128xf32>, vector<2048x128xf32> -> vector<2048x128xf32>
    %add3A_32 = arith.addf %add3A_23, %dot_general3A_31 : vector<2048x128xf32>
    %get3A_33 = arith.constant 0 : index
    %get3A_34 = arith.constant 0 : index
    %get3A_35 = vector.load %arg6[%get3A_33, %get3A_34] : memref<2048x128xf32, #tpu.memory_space<vmem>>, vector<2048x128xf32>
    %add3A_36 = arith.addf %add3A_32, %get3A_35 : vector<2048x128xf32>
    %max3A_37 = arith.constant 0.000000e+00 : f32
    %max3A_38 = vector.broadcast %max3A_37 : f32 to vector<2048x128xf32>
    %max3A_39 = arith.maximumf %add3A_36, %max3A_38 : vector<2048x128xf32>
    %mul3A = arith.constant 2048 : i32
    %mul3A_40 = arith.muli %arg0, %mul3A : i32
    %iota3A = tpu.iota {dimensions = array<i32: 0>} : vector<2048x128xi32>
    %add3A_41 = vector.broadcast %mul3A_40 : i32 to vector<2048x128xi32>
    %add3A_42 = arith.addi %add3A_41, %iota3A : vector<2048x128xi32>
    %lt3A = arith.constant 10000 : i32
    %lt3A_43 = vector.broadcast %lt3A : i32 to vector<2048x128xi32>
    %lt3A_44 = arith.cmpi slt, %add3A_42, %lt3A_43 : vector<2048x128xi32>
    %jit3A = arith.constant 0.000000e+00 : f32
    %broadcast_in_dim3A = vector.broadcast %jit3A : f32 to vector<2048x128xf32>
    %select_n3A = arith.select %lt3A_44, %max3A_39, %broadcast_in_dim3A : vector<2048x128xi1>, vector<2048x128xf32>
    %swap3A = arith.constant 0 : index
    %swap3A_45 = arith.constant 0 : index
    %swap3A_46 = vector.load %arg10[%swap3A, %swap3A_45] : memref<2048x128xf32, #tpu.memory_space<vmem>>, vector<2048x128xf32>
    tpu.vector_store %arg10[%swap3A, %swap3A_45], %select_n3A {strides = array<i32>} : memref<2048x128xf32, #tpu.memory_space<vmem>>, vector<2048x128xf32>,
    return
  }
  func.func @transform_0(%arg0: i32) -> (i32, i32) {
    %c0_i32 = arith.constant 0 : i32
    %c0_i32_0 = arith.constant 0 : i32
    return %arg0, %c0_i32 : i32, i32
  }
  func.func @transform_1(%arg0: i32) -> (i32, i32) {
    %c0_i32 = arith.constant 0 : i32
    %c0_i32_0 = arith.constant 0 : i32
    return %arg0, %c0_i32 : i32, i32
  }
  func.func @transform_2(%arg0: i32) -> (i32, i32) {
    %c0_i32 = arith.constant 0 : i32
    %c0_i32_0 = arith.constant 0 : i32
    return %arg0, %c0_i32 : i32, i32
  }
  func.func @transform_3(%arg0: i32) -> (i32, i32) {
    %c0_i32 = arith.constant 0 : i32
    %c0_i32_0 = arith.constant 0 : i32
    return %arg0, %c0_i32 : i32, i32
  }
  func.func @transform_4(%arg0: i32) -> (i32, i32) {
    %c0_i32 = arith.constant 0 : i32
    %c0_i32_0 = arith.constant 0 : i32
    return %arg0, %c0_i32 : i32, i32
  }
  func.func @transform_5(%arg0: i32) -> (i32, i32) {
    %c0_i32 = arith.constant 0 : i32
    %c0_i32_0 = arith.constant 0 : i32
    return %arg0, %c0_i32 : i32, i32
  }
  func.func @transform_6(%arg0: i32) -> (i32, i32) {
    %c0_i32 = arith.constant 0 : i32
    %c0_i32_0 = arith.constant 0 : i32
    %c0_i32_1 = arith.constant 0 : i32
    return %c0_i32, %c0_i32_0 : i32, i32
  }
  func.func @transform_7(%arg0: i32) -> (i32, i32) {
    %c0_i32 = arith.constant 0 : i32
    %c0_i32_0 = arith.constant 0 : i32
    %c0_i32_1 = arith.constant 0 : i32
    return %c0_i32, %c0_i32_0 : i32, i32
  }
  func.func @transform_8(%arg0: i32) -> (i32, i32) {
    %c0_i32 = arith.constant 0 : i32
    %c0_i32_0 = arith.constant 0 : i32
    %c0_i32_1 = arith.constant 0 : i32
    return %c0_i32, %c0_i32_0 : i32, i32
  }
  func.func @transform_9(%arg0: i32) -> (i32, i32) {
    %c0_i32 = arith.constant 0 : i32
    %c0_i32_0 = arith.constant 0 : i32
    return %arg0, %c0_i32 : i32, i32
  }
}

module attributes {stable_mosaic.version = 14 : i64} {
  func.func @_tc3_body(%arg0: i32, %arg1: memref<2048x128xf32, #tpu.memory_space<vmem>>, %arg2: memref<2048x128xf32, #tpu.memory_space<vmem>>, %arg3: memref<2048x1xf32, #tpu.memory_space<vmem>>, %arg4: memref<2048x1xf32, #tpu.memory_space<vmem>>, %arg5: memref<2048x128xf32, #tpu.memory_space<vmem>>, %arg6: memref<128x128xf32, #tpu.memory_space<vmem>>, %arg7: memref<1x128xf32, #tpu.memory_space<vmem>>, %arg8: memref<128x128xf32, #tpu.memory_space<vmem>>, %arg9: memref<128x40xf32, #tpu.memory_space<vmem>>, %arg10: memref<1x40xf32, #tpu.memory_space<vmem>>, %arg11: memref<2048x40xf32, #tpu.memory_space<vmem>>, %arg12: memref<2048x40xf32, #tpu.memory_space<vmem>>) attributes {dimension_semantics = [#tpu.dimension_semantics<arbitrary>], iteration_bounds = array<i64: 5>, scalar_prefetch = 0 : i64, scratch_operands = 0 : i64, tpu.core_type = #tpu.core_type<tc>, window_params = [{transform_indices = @transform_0, window_bounds = array<i64: 2048, 128>}, {transform_indices = @transform_1, window_bounds = array<i64: 2048, 128>}, {transform_indices = @transform_2, window_bounds = array<i64: 2048, 1>}, {transform_indices = @transform_3, window_bounds = array<i64: 2048, 1>}, {transform_indices = @transform_4, window_bounds = array<i64: 2048, 128>}, {pipeline_mode = #tpu.pipeline_mode<synchronous>, transform_indices = @transform_5, window_bounds = array<i64: 128, 128>}, {pipeline_mode = #tpu.pipeline_mode<synchronous>, transform_indices = @transform_6, window_bounds = array<i64: 1, 128>}, {pipeline_mode = #tpu.pipeline_mode<synchronous>, transform_indices = @transform_7, window_bounds = array<i64: 128, 128>}, {pipeline_mode = #tpu.pipeline_mode<synchronous>, transform_indices = @transform_8, window_bounds = array<i64: 128, 40>}, {pipeline_mode = #tpu.pipeline_mode<synchronous>, transform_indices = @transform_9, window_bounds = array<i64: 1, 40>}, {transform_indices = @transform_10, window_bounds = array<i64: 2048, 40>}, {transform_indices = @transform_11, window_bounds = array<i64: 2048, 40>}]} {
    %get3A = arith.constant 0 : index
    %get3A_0 = arith.constant 0 : index
    %get3A_1 = vector.load %arg3[%get3A, %get3A_0] : memref<2048x1xf32, #tpu.memory_space<vmem>>, vector<2048x1xf32>
    %get3A_2 = arith.constant 0 : index
    %get3A_3 = arith.constant 0 : index
    %get3A_4 = vector.load %arg4[%get3A_2, %get3A_3] : memref<2048x1xf32, #tpu.memory_space<vmem>>, vector<2048x1xf32>
    %add3A = arith.addf %get3A_1, %get3A_4 : vector<2048x1xf32>
    %max3A = arith.constant 1.000000e+00 : f32
    %max3A_5 = vector.broadcast %max3A : f32 to vector<2048x1xf32>
    %max3A_6 = arith.maximumf %add3A, %max3A_5 : vector<2048x1xf32>
    %get3A_7 = arith.constant 0 : index
    %get3A_8 = arith.constant 0 : index
    %get3A_9 = vector.load %arg1[%get3A_7, %get3A_8] : memref<2048x128xf32, #tpu.memory_space<vmem>>, vector<2048x128xf32>
    %get3A_10 = arith.constant 0 : index
    %get3A_11 = arith.constant 0 : index
    %get3A_12 = vector.load %arg2[%get3A_10, %get3A_11] : memref<2048x128xf32, #tpu.memory_space<vmem>>, vector<2048x128xf32>
    %add3A_13 = arith.addf %get3A_9, %get3A_12 : vector<2048x128xf32>
    %div3A = vector.broadcast %max3A_6 : vector<2048x1xf32> to vector<2048x128xf32>
    %div3A_14 = arith.divf %add3A_13, %div3A : vector<2048x128xf32>
    %get3A_15 = arith.constant 0 : index
    %get3A_16 = arith.constant 0 : index
    %get3A_17 = vector.load %arg6[%get3A_15, %get3A_16] : memref<128x128xf32, #tpu.memory_space<vmem>>, vector<128x128xf32>
    %dot_general3A = arith.constant dense<0.000000e+00> : vector<2048x128xf32>
    %dot_general3A_18 = tpu.matmul %div3A_14, %get3A_17, %dot_general3A {dimension_numbers = #tpu.dot_dimension_numbers<[1], [0], [0], [1], [0, 0, 1, 1], [], []>, transpose_lhs_hint = false} : vector<2048x128xf32>, vector<128x128xf32>, vector<2048x128xf32> -> vector<2048x128xf32>
    %get3A_19 = arith.constant 0 : index
    %get3A_20 = arith.constant 0 : index
    %get3A_21 = vector.load %arg7[%get3A_19, %get3A_20] : memref<1x128xf32, #tpu.memory_space<vmem>>, vector<1x128xf32>
    %add3A_22 = vector.broadcast %get3A_21 : vector<1x128xf32> to vector<2048x128xf32>
    %add3A_23 = arith.addf %dot_general3A_18, %add3A_22 : vector<2048x128xf32>
    %get3A_24 = arith.constant 0 : index
    %get3A_25 = arith.constant 0 : index
    %get3A_26 = vector.load %arg5[%get3A_24, %get3A_25] : memref<2048x128xf32, #tpu.memory_space<vmem>>, vector<2048x128xf32>
    %get3A_27 = arith.constant 0 : index
    %get3A_28 = arith.constant 0 : index
    %get3A_29 = vector.load %arg8[%get3A_27, %get3A_28] : memref<128x128xf32, #tpu.memory_space<vmem>>, vector<128x128xf32>
    %dot_general3A_30 = arith.constant dense<0.000000e+00> : vector<2048x128xf32>
    %dot_general3A_31 = tpu.matmul %get3A_26, %get3A_29, %dot_general3A_30 {dimension_numbers = #tpu.dot_dimension_numbers<[1], [0], [0], [1], [0, 0, 1, 1], [], []>, transpose_lhs_hint = false} : vector<2048x128xf32>, vector<128x128xf32>, vector<2048x128xf32> -> vector<2048x128xf32>
    %add3A_32 = arith.addf %add3A_23, %dot_general3A_31 : vector<2048x128xf32>
    %get3A_33 = arith.constant 0 : index
    %get3A_34 = arith.constant 0 : index
    %get3A_35 = vector.load %arg9[%get3A_33, %get3A_34] : memref<128x40xf32, #tpu.memory_space<vmem>>, vector<128x40xf32>
    %dot_general3A_36 = arith.constant dense<0.000000e+00> : vector<2048x40xf32>
    %dot_general3A_37 = tpu.matmul %add3A_32, %get3A_35, %dot_general3A_36 {dimension_numbers = #tpu.dot_dimension_numbers<[1], [0], [0], [1], [0, 0, 1, 1], [], []>, transpose_lhs_hint = false} : vector<2048x128xf32>, vector<128x40xf32>, vector<2048x40xf32> -> vector<2048x40xf32>
    %get3A_38 = arith.constant 0 : index
    %get3A_39 = arith.constant 0 : index
    %get3A_40 = vector.load %arg10[%get3A_38, %get3A_39] : memref<1x40xf32, #tpu.memory_space<vmem>>, vector<1x40xf32>
    %add3A_41 = vector.broadcast %get3A_40 : vector<1x40xf32> to vector<2048x40xf32>
    %add3A_42 = arith.addf %dot_general3A_37, %add3A_41 : vector<2048x40xf32>
    %reduce_max3A = arith.constant dense<0xFF800000> : vector<2048xf32>
    %reduce_max3A_43 = vector.multi_reduction <maximumf>, %add3A_42, %reduce_max3A [1] : vector<2048x40xf32> to vector<2048xf32>
    %broadcast_in_dim3A = vector.shape_cast %reduce_max3A_43 : vector<2048xf32> to vector<2048x1xf32>
    %sub3A = vector.broadcast %broadcast_in_dim3A : vector<2048x1xf32> to vector<2048x40xf32>
    %sub3A_44 = arith.subf %add3A_42, %sub3A : vector<2048x40xf32>
    %exp3A = math.exp %sub3A_44 : vector<2048x40xf32>
    %reduce_sum3A = arith.constant dense<0.000000e+00> : vector<2048xf32>
    %reduce_sum3A_45 = vector.multi_reduction <add>, %exp3A, %reduce_sum3A [1] : vector<2048x40xf32> to vector<2048xf32>
    %broadcast_in_dim3A_46 = vector.shape_cast %reduce_sum3A_45 : vector<2048xf32> to vector<2048x1xf32>
    %log3A = math.log %broadcast_in_dim3A_46 : vector<2048x1xf32>
    %add3A_47 = arith.addf %broadcast_in_dim3A, %log3A : vector<2048x1xf32>
    %swap3A = arith.constant 0 : index
    %swap3A_48 = arith.constant 0 : index
    %swap3A_49 = vector.load %arg11[%swap3A, %swap3A_48] : memref<2048x40xf32, #tpu.memory_space<vmem>>, vector<2048x40xf32>
    tpu.vector_store %arg11[%swap3A, %swap3A_48], %add3A_42 {strides = array<i32>} : memref<2048x40xf32, #tpu.memory_space<vmem>>, vector<2048x40xf32>,
    %sub3A_50 = vector.broadcast %add3A_47 : vector<2048x1xf32> to vector<2048x40xf32>
    %sub3A_51 = arith.subf %add3A_42, %sub3A_50 : vector<2048x40xf32>
    %swap3A_52 = arith.constant 0 : index
    %swap3A_53 = arith.constant 0 : index
    %swap3A_54 = vector.load %arg12[%swap3A_52, %swap3A_53] : memref<2048x40xf32, #tpu.memory_space<vmem>>, vector<2048x40xf32>
    tpu.vector_store %arg12[%swap3A_52, %swap3A_53], %sub3A_51 {strides = array<i32>} : memref<2048x40xf32, #tpu.memory_space<vmem>>, vector<2048x40xf32>,
    return
  }
  func.func @transform_0(%arg0: i32) -> (i32, i32) {
    %c0_i32 = arith.constant 0 : i32
    %c0_i32_0 = arith.constant 0 : i32
    return %arg0, %c0_i32 : i32, i32
  }
  func.func @transform_1(%arg0: i32) -> (i32, i32) {
    %c0_i32 = arith.constant 0 : i32
    %c0_i32_0 = arith.constant 0 : i32
    return %arg0, %c0_i32 : i32, i32
  }
  func.func @transform_2(%arg0: i32) -> (i32, i32) {
    %c0_i32 = arith.constant 0 : i32
    %c0_i32_0 = arith.constant 0 : i32
    return %arg0, %c0_i32 : i32, i32
  }
  func.func @transform_3(%arg0: i32) -> (i32, i32) {
    %c0_i32 = arith.constant 0 : i32
    %c0_i32_0 = arith.constant 0 : i32
    return %arg0, %c0_i32 : i32, i32
  }
  func.func @transform_4(%arg0: i32) -> (i32, i32) {
    %c0_i32 = arith.constant 0 : i32
    %c0_i32_0 = arith.constant 0 : i32
    return %arg0, %c0_i32 : i32, i32
  }
  func.func @transform_5(%arg0: i32) -> (i32, i32) {
    %c0_i32 = arith.constant 0 : i32
    %c0_i32_0 = arith.constant 0 : i32
    %c0_i32_1 = arith.constant 0 : i32
    return %c0_i32, %c0_i32_0 : i32, i32
  }
  func.func @transform_6(%arg0: i32) -> (i32, i32) {
    %c0_i32 = arith.constant 0 : i32
    %c0_i32_0 = arith.constant 0 : i32
    %c0_i32_1 = arith.constant 0 : i32
    return %c0_i32, %c0_i32_0 : i32, i32
  }
  func.func @transform_7(%arg0: i32) -> (i32, i32) {
    %c0_i32 = arith.constant 0 : i32
    %c0_i32_0 = arith.constant 0 : i32
    %c0_i32_1 = arith.constant 0 : i32
    return %c0_i32, %c0_i32_0 : i32, i32
  }
  func.func @transform_8(%arg0: i32) -> (i32, i32) {
    %c0_i32 = arith.constant 0 : i32
    %c0_i32_0 = arith.constant 0 : i32
    %c0_i32_1 = arith.constant 0 : i32
    return %c0_i32, %c0_i32_0 : i32, i32
  }
  func.func @transform_9(%arg0: i32) -> (i32, i32) {
    %c0_i32 = arith.constant 0 : i32
    %c0_i32_0 = arith.constant 0 : i32
    %c0_i32_1 = arith.constant 0 : i32
    return %c0_i32, %c0_i32_0 : i32, i32
  }
  func.func @transform_10(%arg0: i32) -> (i32, i32) {
    %c0_i32 = arith.constant 0 : i32
    %c0_i32_0 = arith.constant 0 : i32
    return %arg0, %c0_i32 : i32, i32
  }
  func.func @transform_11(%arg0: i32) -> (i32, i32) {
    %c0_i32 = arith.constant 0 : i32
    %c0_i32_0 = arith.constant 0 : i32
    return %arg0, %c0_i32 : i32, i32
  }
}

</mosaic_0001>

<sc_bundles>
// kernel: kernel.10.cloned.1.call-start
scs
__scs_entry_jumppad:
0x0: {  	(pc) =	sbr.rel $0x88, $3  }
0x1: {  	(tag) =	ssettag $0x0;
	lr =	simm.s32 $0x1  }
0x2: {  	[smem:$0x3F8E] =	sst lr;
	_ =	strace $0xD0000000  }
0x3: {  	_ = 	snop  }
0x4: {  	_ = 	snop  }
0x5: {  	_ = 	snop  }
0x6: {  	_ = 	snop  }
0x7: {  	_ = 	snop  }
__scs_overlays_trampoline_lowered:
0x8: {  	[smem:$0x3F9D] =	sst s0  }
0x9: {  	[smem:$0x3F9E] =	sst s1  }
0xa: {  	[smem:$0x3F9F] =	sst s2  }
0xb: {  	[smem:$0x3FA0] =	sst s3  }
0xc: {  	[smem:$0x3FA1] =	sst s4  }
0xd: {  	[smem:$0x3FA2] =	sst s5  }
0xe: {  	[smem:$0x3FA3] =	sst s6  }
0xf: {  	[smem:$0x3FA4] =	sst s7  }
0x10: {  	[smem:$0x3FA5] =	sst s8  }
0x11: {  	[smem:$0x3FA6] =	sst s9;
	s0 =	simm.s32 @!p0 $0x0  }
0x12: {  	s1 =	sld [smem:$0x3F8C];
	s0 =	simm.s32 @p0 $0x1  }
0x13: {  	[smem:$0x3FA7] =	sst s0;
	s0 =	simm.s32 @!p1 $0x0  }
0x14: {  	s2 =	sld [smem:$0x3F8B];
	s0 =	simm.s32 @p1 $0x1  }
0x15: {  	[smem:$0x3FA8] =	sst s0;
	s0 =	simm.s32 @!p2 $0x0  }
0x16: {  	s3 =	sld [smem:$0x3FDB];
	s0 =	simm.s32 @p2 $0x1  }
0x17: {  	s4 =	simm.s32 $0x1BF5;
	[smem:$0x3FAA] =	sst s0  }
0x18: {  	s0 =	sld [smem:$0x3F8D];
	_ =	swait.ge [sflag:s4], $0x0  }
0x19: {  	s7 =	sld [smem:$0x3F8E]  }
0x1a: {  	s8 =	sadd.s32 $0xFFFFE003, lr  }
0x1b: {  	s9 =	sadd.s32 $0xFFFFFEF7, lr;
	s5 =	simm.s32 $0xFFFFFFFF;
	p2 =	slt.u32 s8, $0xFFFFF086  }
0x1c: {  	p1 =	slt.u32 s9, $0xF7A;
	s5 =	simm.s32 @!p2 $0x0  }
0x1d: {  	s5 =	simm.s32 @p1 $0x1;
	p0 =	seq.s32 s7, s2  }
0x1e: {  	s7 =	smul.u32 @!p0 $0xF7A, s2;
	p2 =	seq.s32 @!p0 s5, $0x0  }
0x1f: {  	s9 =	smul.u32 $0xF7A, s1;
	s8 =	simm.s32 @!p0 $0x1BF5;
	p2 =	por !p2, p0  }
0x20: {  	[sflag:s8] =	ssyncset.s32 @!p0 $0xFFFFF086;
	s6 =	sadd.s32 @!p0 s3, s7;
	s7 =	simm.s32 @!p0 $0x108  }
0x21: {  	s3 =	sadd.s32 s3, s9;
	s6 =	sadd.s32 @!p0 $0x88, s6;
	s7 =	simm.s32 @p2 $0x1082  }
0x22: {  	[simem:s7], [sflag:s8] =	dma.local @!p0 [hbm:s6], $0xF7A  }
0x23: {  	s9 =	sor.u32 $0xD0000000, s2;
	s6 =	simm.s32 $0x108;
	_ =	swait.ge @!p0 [sflag:s8], $0x0  }
0x24: {  	s3 =	sadd.s32 $0x88, s3;
	s6 =	simm.s32 @!p1 $0x1082;
	[sflag:s4] =	ssyncset.s32 $0xFFFFF086  }
0x25: {  	[simem:s6], [sflag:s4] =	dma.local [hbm:s3], $0xF7A  }
0x26: {  	[smem:$0x3F8E] =	sst s1;
	(tag) =	ssettag s2;
	_ =	strace s9  }
0x27: {  	s1 =	sld [smem:$0x3F9E]  }
0x28: {  	s2 =	sld [smem:$0x3F9F]  }
0x29: {  	s4 =	sld [smem:$0x3FA1]  }
0x2a: {  	p0 =	seq.s32 s5, $0x0;
	s5 =	sld [smem:$0x3FA2]  }
0x2b: {  	s6 =	sld [smem:$0x3FA3]  }
0x2c: {  	s7 =	sld [smem:$0x3FA4]  }
0x2d: {  	s3 =	simm.s32 $0x108;
	s8 =	sld [smem:$0x3FA5]  }
0x2e: {  	s3 =	simm.s32 @!p0 $0x1082;
	s9 =	sld [smem:$0x3FA6]  }
0x2f: {  	lr =	sadd.s32 s0, s3;
	s0 =	sld [smem:$0x3F9D]  }
0x30: {  	s3 =	sld [smem:$0x3FA0]  }
0x31: {  	[smem:$0x3FA9] =	sst s10  }
0x32: {  	s10 =	sld [smem:$0x3FA7];
	_ =	sdelay $0x3  }
0x33: {  	p0 =	seq.s32 s10, $0x1;
	s10 =	sld [smem:$0x3FA9];
	_ =	sdelay $0x3  }
0x34: {  	[smem:$0x3FA9] =	sst s10  }
0x35: {  	s10 =	sld [smem:$0x3FA8];
	_ =	sdelay $0x3  }
0x36: {  	p1 =	seq.s32 s10, $0x1;
	s10 =	sld [smem:$0x3FA9];
	_ =	sdelay $0x3  }
0x37: {  	[smem:$0x3FA9] =	sst s10  }
0x38: {  	s10 =	sld [smem:$0x3FAA]  }
0x39: {  	_ = 	snop;
	(pc) =	sbr.ind lr, $3  }
0x3a: {  	_ = 	snop  }
0x3b: {  	_ = 	snop  }
0x3c: {  	p2 =	seq.s32 s10, $0x1;
	s10 =	sld [smem:$0x3FA9]  }
0x3d: {  	_ =	shalt  }
0x3e: {  	_ =	shalt  }
0x3f: {  	_ =	shalt  }
0x40: {  	_ =	shalt  }
0x41: {  	_ =	shalt  }
0x42: {  	_ =	shalt  }
0x43: {  	_ =	shalt  }
0x44: {  	_ =	shalt  }
0x45: {  	_ =	shalt  }
0x46: {  	_ =	shalt  }
0x47: {  	_ =	shalt  }
0x48: {  	_ =	shalt  }
0x49: {  	_ =	shalt  }
0x4a: {  	_ =	shalt  }
0x4b: {  	_ =	shalt  }
0x4c: {  	_ =	shalt  }
0x4d: {  	_ =	shalt  }
0x4e: {  	_ =	shalt  }
0x4f: {  	_ =	shalt  }
0x50: {  	_ =	shalt  }
0x51: {  	_ =	shalt  }
0x52: {  	_ =	shalt  }
0x53: {  	_ =	shalt  }
0x54: {  	_ =	shalt  }
0x55: {  	_ =	shalt  }
0x56: {  	_ =	shalt  }
0x57: {  	_ =	shalt  }
0x58: {  	_ =	shalt  }
0x59: {  	_ =	shalt  }
0x5a: {  	_ =	shalt  }
0x5b: {  	_ =	shalt  }
0x5c: {  	_ =	shalt  }
0x5d: {  	_ =	shalt  }
0x5e: {  	_ =	shalt  }
0x5f: {  	_ =	shalt  }
0x60: {  	_ =	shalt  }
0x61: {  	_ =	shalt  }
0x62: {  	_ =	shalt  }
0x63: {  	_ =	shalt  }
0x64: {  	_ =	shalt  }
0x65: {  	_ =	shalt  }
0x66: {  	_ =	shalt  }
0x67: {  	_ =	shalt  }
0x68: {  	_ =	shalt  }
0x69: {  	_ =	shalt  }
0x6a: {  	_ =	shalt  }
0x6b: {  	_ =	shalt  }
0x6c: {  	_ =	shalt  }
0x6d: {  	_ =	shalt  }
0x6e: {  	_ =	shalt  }
0x6f: {  	_ =	shalt  }
0x70: {  	_ =	shalt  }
0x71: {  	_ =	shalt  }
0x72: {  	_ =	shalt  }
0x73: {  	_ =	shalt  }
0x74: {  	_ =	shalt  }
0x75: {  	_ =	shalt  }
0x76: {  	_ =	shalt  }
0x77: {  	_ =	shalt  }
0x78: {  	_ =	shalt  }
0x79: {  	_ =	shalt  }
0x7a: {  	_ =	shalt  }
0x7b: {  	_ =	shalt  }
0x7c: {  	_ =	shalt  }
0x7d: {  	_ =	shalt  }
0x7e: {  	_ =	shalt  }
0x7f: {  	_ =	shalt  }
0x80: {  	_ =	shalt  }
0x81: {  	_ =	shalt  }
0x82: {  	_ =	shalt  }
0x83: {  	_ =	shalt  }
0x84: {  	_ =	shalt  }
0x85: {  	_ =	shalt  }
0x86: {  	_ =	shalt  }
0x87: {  	_ =	shalt  }
.Lfunc_end0:
.L_simem_size_0:
called_computation.1_lowered:
.L_overlay_start_0:
0x88: {  	s2 =	sld [smem:$0x3FD9]  }
0x89: {  	s3 =	sld [smem:$0x3FFE];
	_ =	sdelay $0x1  }
0x8a: {  	s1 =	srdreg.scid  }
0x8b: {  	s0 =	sand.u32 $0x1, s1  }
0x8c: {  	s14 =	sshll.u32 s0, $0xA;
	s2 =	sadd.s32 s3, s2  }
0x8d: {  	s2 =	sadd.s32 s2, s14  }
0x8e: {  	[smem:$0x3FB5] =	sst s2  }
0x8f: {  	_ = 	snop  }
0x90: {  	s2 =	sld [smem:$0x3FD0];
	_ =	sdelay $0x2  }
0x91: {  	s15 =	simm.s32 $0xA;
	s4 =	simm.s32 $0x10  }
0x92: {  	[smem:s4], [sflag:s15] =	dma.local [hbm:s2], $0x1  }
0x93: {  	_ =	swait.eq [sflag:s15], $0x1  }
0x94: {  	[sflag:s15] =	ssyncset.done $0x0  }
0x95: {  	s16 =	sld [smem:$0x10];
	[sflag:s15] =	ssyncadd.s32 $0xFFFFFFFF  }
0x96: {  	s17 =	sld [smem:$0x11];
	(tm) =	ssettm $0x1  }
0x97: {  	s18 =	sld [smem:$0x3FFB];
	_ =	sdelay $0x3  }
0x98: {  	_ =	strace s18  }
0x99: {  	s4 =	sld [smem:$0x3FFC];
	_ =	sdelay $0x3  }
0x9a: {  	_ =	strace s4  }
0x9b: {  	s4 =	sld [smem:$0x3FFD];
	_ =	sdelay $0x3  }
0x9c: {  	_ =	strace s4  }
0x9d: {  	_ =	strace $0x8FFFFFFF  }
0x9e: {  	s19 =	sld [smem:$0x3FDB];
	_ =	sdelay $0x1  }
0x9f: {  	s5 =	simm.s32 $_scs_section_size  }
0xa0: {  	s6 =	simm.s32 $_size__tile_overlayer_lowered;
	s7 =	simm.s32 $_tile_overlayer_lowered  }
0xa1: {  	s22 =	simm.s32 $0x1BFF;
	s21 =	sshll.u32 s7, $0x1;
	s4 =	sadd.s32 s5, s19  }
0xa2: {  	s8 =	simm.s32 $0x0;
	s20 =	sshll.u32 s6, $0x1;
	s6 =	sadd.s32 s21, s4  }
0xa3: {  	[timem:s8], [sflag:s22] =	dma.local [hbm:s6], s20  }
0xa4: {  	_ =	swait.ge [sflag:s22], s20  }
0xa5: {  	s5 =	ssub.s32 $0x0, s20;
	[sflag:s22] =	ssyncset.done $0x0  }
0xa6: {  	[sflag:s22] =	ssyncadd.s32 s5;
	_ =	sdelay $0x1  }
0xa7: {  	s23 =	simm.s32 $0x1B8B  }
0xa8: {  	_ =	swait.ge [sflag:s23], $0x1  }
0xa9: {  	[sflag:s23] =	ssyncset.done $0x0  }
0xaa: {  	s25 =	simm.s32 $0x1B8E;
	s24 =	sld [smem:$0x3FFE];
	[sflag:s23] =	ssyncadd.s32 $0xFFFFFFFF  }
0xab: {  	s26 =	simm.s32 $execute0_lowered;
	[smem:$0x3FD2] =	sst s25  }
0xac: {  	s6 =	sshll.u32 s26, $0x1;
	_ =	strace $0x80000049;
	[dreg:$0x1] =	wrdreg $0xFFFFFFFF  }
0xad: {  	s28 =	simm.s32 $_size_execute0_lowered;
	s4 =	sadd.s32 s4, s6;
	[dreg:$0x0] =	wrdreg $0x0  }
0xae: {  	s6 =	sshll.u32 s28, $0x1;
	[dreg:$0x2] =	wrdreg s4  }
0xaf: {  	[dreg:$0x3] =	wrdreg s6  }
0xb0: {  	[dreg:$0x4] =	wrdreg $0xC0  }
0xb1: {  	_ =	task [dreg:s8], $0x5FFFF  }
0xb2: {  	[dreg:$0x1] =	wrdreg $0xFFFFFFFF  }
0xb3: {  	[dreg:$0x0] =	wrdreg $0x60  }
0xb4: {  	[dreg:$0x2] =	wrdreg s24  }
0xb5: {  	[dreg:$0x3] =	wrdreg s17  }
0xb6: {  	[dreg:$0x4] =	wrdreg s16  }
0xb7: {  	[dreg:$0x5] =	wrdreg $0x90800  }
0xb8: {  	[dreg:$0x6] =	wrdreg $0x1D0800  }
0xb9: {  	[dreg:$0x7] =	wrdreg $0x9  }
0xba: {  	_ =	task.clear_ibuf [dreg:s8], $0x8FFFF;
	_ =	strace $0x90000049  }
0xbb: {  	s29 =	simm.s32 $0x9;
	_ =	strace $0x8000004B  }
0xbc: {  	_ =	swait.ge [sflag:s29], $0x1  }
0xbd: {  	[sflag:s29] =	ssyncadd.s32 $0xFFFFFFFF  }
0xbe: {  	_ =	strace $0x9000004B  }
0xbf: {  	_ =	sfence  }
0xc0: {  	s30 =	sld [smem:$0x0];
	_ =	sdelay $0x2  }
0xc1: {  	s31 =	sshll.u32 s1, $0xD;
	s1 =	sshrl.u32 s1, $0x2  }
0xc2: {  	s3 =	sand.u32 $0x4000, s31;
	s1 =	sadd.s32 s1, s30  }
0xc3: {  	s0 =	sor.u32 s3, s0;
	s1 =	sshll.u32 s1, $0x11  }
0xc4: {  	s0 =	sor.u32 s1, s0  }
0xc5: {  	s0 =	sadd.s32 $0x8F2B, s0  }
0xc6: {  	[sflag:s0] =	ssyncadd.remote.s32 $0x1  }
0xc7: {  	_ =	sfence.sel $0xFFFF  }
0xc8: {  	[dreg:$0x0] =	wrdreg $0xFFFFFFFF;
	(pc) =	sbr.abs _section_cstart, $3  }
0xc9: {  	[dreg:$0x1] =	wrdreg $0xFFFFFFFF  }
0xca: {  	_ =	task.clear_ibuf [dreg:s8], $0x2FFFF;
	_ =	strace $0x9FFFFFFF  }
0xcb: {  	(tm) =	ssettm $0x7FFFFFFF  }
tec
execute0_lowered:
.L_overlay_start_1:
0x0: {  	(tag) =	ssettag $0x1  }
0x1: {  	s9 =	rddreg [dreg:$0x0]  }
0x2: {  	s10 =	rddreg [dreg:$0x1]  }
0x3: {  	s11 =	rddreg [dreg:$0x2]  }
0x4: {  	s1 =	rddreg [dreg:$0x3]  }
0x5: {  	s2 =	rddreg [dreg:$0x4]  }
0x6: {  	s0 =	rddreg [dreg:$0x5];
	s3 =	simm.s32 $0x0  }
0x7: {  	s4 =	srdreg.scid;
	s20 =	simm.s32 $0x80;
	s21 =	simm.s32 $0x5000  }
0x8: {  	s22 =	simm.s32 $0x20;
	s23 =	simm.s32 $0x10;
	s12 =	sand.u32 $0x1, s4  }
0x9: {  	s24 =	simm.s32 $0x0;
	s4 =	stileid.u32;
	s13 =	smul.u32 $0x140000, s12  }
0xa: {  	[smem:$0x7FF] =	sst s3;
	s5 =	sadd.s32 $0x4000, s9;
	s14 =	smul.u32 $0x14000, s4  }
0xb: {  	s6 =	sadd.s32 $0x54000, s9;
	s7 =	sadd.s32 $0x56800, s9;
	s25 =	smul.u32 $0x500, s4  }
0xc: {  	s8 =	sadd.s32 $0x56A00, s9;
	_ =	strace $0x8000004A;
	s26 =	smul.u32 $0x50000, s4  }
0xd: {  	s15 =	sshll.u32 s4, $0x1;
	s16 =	sshll.u32 s12, $0x7;
	s18 =	smul.u32 $0xA00, s4  }
0xe: {  	s31 =	sshll.u32 s4, $0x6;
	s15 =	sor.u32 s12, s15;
	s12 =	ssub.s32 $0x2, s12  }
0xf: {  	s13 =	sadd.s32 s14, s13;
	s15 =	smul.u32 $0x500, s15;
	s14 =	sor.u32 s16, s25  }
0x10: {  	s17 =	sshrl.u32 s12, $0x1;
	s28 =	sshrl.u32 s26, $0x2;
	s29 =	sshrl.u32 s18, $0x2  }
0x11: {  	s16 =	simm.s32 $0x9000;
	s13 =	sshrl.u32 s13, $0x3;
	s14 =	sshrl.u32 s14, $0x3  }
0x12: {  	s17 =	ssub.s32 s12, s17;
	s30 =	sadd.s32 s28, s1;
	s19 =	sadd.s32 s29, s2  }
0x13: {  	s13 =	sadd.s32 s13, s9;
	s14 =	sadd.s32 s14, s9;
	s9 =	sadd.s32 s10, s15  }
0x14: {  	s10 =	sadd.s32 s11, s15;
	s15 =	simm.s32 $0x2800;
	s18 =	sshrl.u32 s30, $0x3  }
0x15: {  	s19 =	sshrl.u32 s19, $0x3;
	s11 =	sadd.s32 $0xA6C00, s13;
	s12 =	sadd.s32 $0x2C000, s14  }
0x16: {  	s13 =	smax.u32 s17, $0x1;
	s14 =	simm.s32 $0x1;
	s17 =	sor.u32 $0x1C01, s31  }
.LBB2_1:
0x17: {  	[tilespmem:s3], [sflag:$0x1] =	stream.linear.gather [hbm4b:s9+s3], $0x2780, $0x38;
	[tilespmem:$0x1D300] =	vst v63  }
0x18: {  	_ =	swait.ge [sflag:s14], $0x2780  }
0x19: {  	[sflag:s14] =	ssyncset.done $0x0  }
0x1a: {  	[sflag:s14] =	ssyncadd.s32 $0xFFFFD880  }
0x1b: {  	[tilespmem:s15], [sflag:$0x1] =	stream.linear.gather [hbm4b:s10+s3], $0x2780, $0x38;
	[tilespmem:$0x1D300] =	vst v63  }
0x1c: {  	_ =	swait.ge [sflag:s14], $0x2780  }
0x1d: {  	[sflag:s14] =	ssyncset.done $0x0  }
0x1e: {  	[sflag:s14] =	ssyncadd.s32 $0xFFFFD880  }
0x1f: {  	[tilespmem:s16], [sflag:$0x1] =	stream.linear.gather [hbm4b:s8+s3], $0x80, $0x38;
	[tilespmem:$0x1D300] =	vst v63  }
0x20: {  	_ =	swait.ge [sflag:s14], $0x80  }
0x21: {  	[sflag:s14] =	ssyncset.done $0x0  }
0x22: {  	[sflag:s14] =	ssyncadd.s32 $0xFFFFFF80  }
0x23: {  	[spmem:s18], [sflag:s17] =	dma.local [hbm:s6], $0x2800  }
0x24: {  	_ =	swait.ge [sflag:s14], $0x2800  }
0x25: {  	[sflag:s14] =	ssyncset.done $0x0  }
0x26: {  	[sflag:s14] =	ssyncadd.s32 $0xFFFFD800  }
0x27: {  	[spmem:s19], [sflag:s17] =	dma.local [hbm:s7], $0x50  }
0x28: {  	_ =	swait.ge [sflag:s14], $0x50  }
0x29: {  	[sflag:s14] =	ssyncset.done $0x0  }
0x2a: {  	[sflag:s14] =	ssyncadd.s32 $0xFFFFFFB0  }
0x2b: {  	s25 =	simm.s32 $0x0;
	[bflag:$0x0] =	sbarrier.arrive $0xFFFF  }
0x2c: {  	[tilespmem:s21], [sflag:$0x1] =	stream.indirect.gather [hbm4b:s5+s20], $0x80, s25, s20, $0xb8;
	[tilespmem:$0x1D300] =	vst v63  }
0x2d: {  	_ =	swait.ge [sflag:s14], $0x4000  }
0x2e: {  	[sflag:s14] =	ssyncset.done $0x0  }
0x2f: {  	s31 =	simm.s32 $0x2800;
	[sflag:s14] =	ssyncadd.s32 $0xFFFFC000  }
0x30: {  	[spmem:s1] =	stream.indirect.scatter.add.f32 [tilespmem:s21], [sflag:$0x1], $0x80, s31, s20, $0xb8;
	[tilespmem:$0x1D300] =	vst v63  }
0x31: {  	_ =	swait.ge [sflag:s14], $0x4000  }
0x32: {  	[sflag:s14] =	ssyncset.done $0x0  }
0x33: {  	[sflag:s14] =	ssyncadd.s32 $0xFFFFC000  }
0x34: {  	[spmem:s2] =	stream.indirect.scatter.add.f32 [tilespmem:s16], [sflag:$0x1], $0x1, s31, s20, $0xb8;
	[tilespmem:$0x1D300] =	vst v63  }
0x35: {  	_ =	swait.ge [sflag:s14], $0x80  }
0x36: {  	s26 =	simm.s32 $0x400;
	s25 =	simm.s32 $0x200;
	[sflag:s14] =	ssyncset.done $0x0  }
.LBB2_2:
0x37: {  	s28 =	sshra.s32 s25, $0x2  }
0x38: {  	[sflag:s14] =	ssyncadd.s32 $0xFFFFFF80;
	s25 =	smov.u32 s26;
	s29 =	sadd.s32 $0x200, s26  }
0x39: {  	[tilespmem:s21], [sflag:$0x1] =	stream.indirect.gather [hbm4b:s5+s20], $0x80, s28, s20, $0xb8;
	[tilespmem:$0x1D300] =	vst v63  }
0x3a: {  	p0 =	sne.s32 s26, $0x9C00;
	_ =	swait.ge [sflag:s14], $0x4000  }
0x3b: {  	[sflag:s14] =	ssyncset.done $0x0  }
0x3c: {  	s26 =	sadd.s32 $0x2800, s28;
	[sflag:s14] =	ssyncadd.s32 $0xFFFFC000  }
0x3d: {  	[spmem:s1] =	stream.indirect.scatter.add.f32 [tilespmem:s21], [sflag:$0x1], $0x80, s26, s20, $0xb8;
	[tilespmem:$0x1D300] =	vst v63  }
0x3e: {  	_ =	swait.ge [sflag:s14], $0x4000  }
.Ltmp0:
0x3f: {  	[sflag:s14] =	ssyncset.done $0x0;
	(pc) =	sbr.rel @p0 .LBB2_2-.Ltmp0, $4  }
0x40: {  	[sflag:s14] =	ssyncadd.s32 $0xFFFFC000  }
0x41: {  	[spmem:s2] =	stream.indirect.scatter.add.f32 [tilespmem:s16], [sflag:$0x1], $0x1, s26, s20, $0xb8;
	[tilespmem:$0x1D300] =	vst v63  }
0x42: {  	_ =	swait.ge [sflag:s14], $0x80  }
0x43: {  	s26 =	smov.u32 s29;
	[sflag:s14] =	ssyncset.done $0x0  }
0x44: {  	s25 =	sshra.s32 s25, $0x2;
	[sflag:s14] =	ssyncadd.s32 $0xFFFFFF80  }
0x45: {  	[tilespmem:s21], [sflag:$0x1] =	stream.indirect.gather [hbm4b:s5+s20], $0x80, s25, s20, $0xb8;
	[tilespmem:$0x1D300] =	vst v63  }
0x46: {  	_ =	swait.ge [sflag:s14], $0x4000  }
0x47: {  	[sflag:s14] =	ssyncset.done $0x0  }
0x48: {  	s25 =	sadd.s32 $0x2800, s25;
	[sflag:s14] =	ssyncadd.s32 $0xFFFFC000  }
0x49: {  	[spmem:s1] =	stream.indirect.scatter.add.f32 [tilespmem:s21], [sflag:$0x1], $0x80, s25, s20, $0xb8;
	[tilespmem:$0x1D300] =	vst v63  }
0x4a: {  	_ =	swait.ge [sflag:s14], $0x4000  }
0x4b: {  	[sflag:s14] =	ssyncset.done $0x0  }
0x4c: {  	[sflag:s14] =	ssyncadd.s32 $0xFFFFC000  }
0x4d: {  	[spmem:s2] =	stream.indirect.scatter.add.f32 [tilespmem:s16], [sflag:$0x1], $0x1, s25, s20, $0xb8;
	[tilespmem:$0x1D300] =	vst v63  }
0x4e: {  	_ =	swait.ge [sflag:s14], $0x80  }
0x4f: {  	[sflag:s14] =	ssyncset.done $0x0  }
0x50: {  	[sflag:s14] =	ssyncadd.s32 $0xFFFFFF80  }
0x51: {  	[bflag:$0x0] =	sbarrier.arrive $0xFFFF  }
0x52: {  	[hbm:s11], [sflag:s17] =	dma.local [spmem:s18], $0x2800  }
0x53: {  	s24 =	sadd.s32 $0x1, s24;
	_ =	swait.ge [sflag:s14], $0x2800  }
0x54: {  	p0 =	sne.s32 s24, s13;
	[sflag:s14] =	ssyncset.done $0x0  }
.Ltmp1:
0x55: {  	[sflag:s14] =	ssyncadd.s32 $0xFFFFD800;
	(pc) =	sbr.rel @p0 .LBB2_1-.Ltmp1, $4  }
0x56: {  	[hbm:s12@s22], [sflag:s17] =	dma.strided [spmem:s19@s23], $0x50, s14, $0x10   }
0x57: {  	_ =	swait.ge [sflag:s14], $0x50  }
0x58: {  	[sflag:s14] =	ssyncset.done $0x0  }
0x59: {  	[sflag:s14] =	ssyncadd.s32 $0xFFFFFFB0  }
0x5a: {  	_ =	sfence.sel $0x180000  }
0x5b: {  	[bflag:$0x0] =	sbarrier.arrive $0xFFFF  }
0x5c: {  	p0 =	sne.s32 s4, $0x0;
	_ =	strace $0x9000004A  }
0x5d: {  	s0 =	sadd.s32 @!p0 $0x100000, s0;
	[bflag:$0x2] =	sbarrier.arrive $0xFFFF  }
0x5e: {  	[sflag:s0] =	ssyncadd.tile.s32 @!p0 $0x1;
	_ =	shalt  }
.Lfunc_end2:
_tile_overlayer_lowered:
.L_overlay_start_2:
0x5f: {  	(tag) =	ssettag $0x2  }
0x60: {  	s0 =	rddreg [dreg:$0x0];
	s2 =	stileid.u32  }
0x61: {  	s1 =	rddreg [dreg:$0x1];
	p0 =	sne.s32 s2, $0x0  }
0x62: {  	s3 =	rddreg [dreg:$0x2];
	[bflag:$0x3] =	sbarrier.arrive $0xFFFF;
	s2 =	simm.s32 @!p0 $0x1C01  }
0x63: {  	[timem:s3], [sflag:s2] =	dma.local @!p0 [hbm:s0], s1  }
0x64: {  	s0 =	simm.s32 @!p0 $0x1  }
0x65: {  	_ =	swait.ge @!p0 [sflag:s0], s1  }
0x66: {  	s1 =	ssub.s32 @!p0 $0x0, s1;
	[sflag:s0] =	ssyncset.done @!p0 $0x0  }
0x67: {  	[sflag:s0] =	ssyncadd.s32 @!p0 s1  }
0x68: {  	[bflag:$0x3] =	sbarrier.arrive $0xFFFF  }
0x69: {  	_ =	shalt  }

// kernel: kernel.7.cloned.1.call-start
scs
__scs_entry_jumppad:
0x0: {  	(pc) =	sbr.rel $0x88, $3  }
0x1: {  	(tag) =	ssettag $0x0;
	lr =	simm.s32 $0x1  }
0x2: {  	[smem:$0x3F8E] =	sst lr;
	_ =	strace $0xD0000000  }
0x3: {  	_ = 	snop  }
0x4: {  	_ = 	snop  }
0x5: {  	_ = 	snop  }
0x6: {  	_ = 	snop  }
0x7: {  	_ = 	snop  }
__scs_overlays_trampoline_lowered:
0x8: {  	[smem:$0x3F9D] =	sst s0  }
0x9: {  	[smem:$0x3F9E] =	sst s1  }
0xa: {  	[smem:$0x3F9F] =	sst s2  }
0xb: {  	[smem:$0x3FA0] =	sst s3  }
0xc: {  	[smem:$0x3FA1] =	sst s4  }
0xd: {  	[smem:$0x3FA2] =	sst s5  }
0xe: {  	[smem:$0x3FA3] =	sst s6  }
0xf: {  	[smem:$0x3FA4] =	sst s7  }
0x10: {  	[smem:$0x3FA5] =	sst s8  }
0x11: {  	[smem:$0x3FA6] =	sst s9;
	s0 =	simm.s32 @!p0 $0x0  }
0x12: {  	s1 =	sld [smem:$0x3F8C];
	s0 =	simm.s32 @p0 $0x1  }
0x13: {  	[smem:$0x3FA7] =	sst s0;
	s0 =	simm.s32 @!p1 $0x0  }
0x14: {  	s2 =	sld [smem:$0x3F8B];
	s0 =	simm.s32 @p1 $0x1  }
0x15: {  	[smem:$0x3FA8] =	sst s0;
	s0 =	simm.s32 @!p2 $0x0  }
0x16: {  	s3 =	sld [smem:$0x3FDB];
	s0 =	simm.s32 @p2 $0x1  }
0x17: {  	s4 =	simm.s32 $0x1BF5;
	[smem:$0x3FAA] =	sst s0  }
0x18: {  	s0 =	sld [smem:$0x3F8D];
	_ =	swait.ge [sflag:s4], $0x0  }
0x19: {  	s7 =	sld [smem:$0x3F8E]  }
0x1a: {  	s8 =	sadd.s32 $0xFFFFE003, lr  }
0x1b: {  	s9 =	sadd.s32 $0xFFFFFEF7, lr;
	s5 =	simm.s32 $0xFFFFFFFF;
	p2 =	slt.u32 s8, $0xFFFFF086  }
0x1c: {  	p1 =	slt.u32 s9, $0xF7A;
	s5 =	simm.s32 @!p2 $0x0  }
0x1d: {  	s5 =	simm.s32 @p1 $0x1;
	p0 =	seq.s32 s7, s2  }
0x1e: {  	s7 =	smul.u32 @!p0 $0xF7A, s2;
	p2 =	seq.s32 @!p0 s5, $0x0  }
0x1f: {  	s9 =	smul.u32 $0xF7A, s1;
	s8 =	simm.s32 @!p0 $0x1BF5;
	p2 =	por !p2, p0  }
0x20: {  	[sflag:s8] =	ssyncset.s32 @!p0 $0xFFFFF086;
	s6 =	sadd.s32 @!p0 s3, s7;
	s7 =	simm.s32 @!p0 $0x108  }
0x21: {  	s3 =	sadd.s32 s3, s9;
	s6 =	sadd.s32 @!p0 $0x88, s6;
	s7 =	simm.s32 @p2 $0x1082  }
0x22: {  	[simem:s7], [sflag:s8] =	dma.local @!p0 [hbm:s6], $0xF7A  }
0x23: {  	s9 =	sor.u32 $0xD0000000, s2;
	s6 =	simm.s32 $0x108;
	_ =	swait.ge @!p0 [sflag:s8], $0x0  }
0x24: {  	s3 =	sadd.s32 $0x88, s3;
	s6 =	simm.s32 @!p1 $0x1082;
	[sflag:s4] =	ssyncset.s32 $0xFFFFF086  }
0x25: {  	[simem:s6], [sflag:s4] =	dma.local [hbm:s3], $0xF7A  }
0x26: {  	[smem:$0x3F8E] =	sst s1;
	(tag) =	ssettag s2;
	_ =	strace s9  }
0x27: {  	s1 =	sld [smem:$0x3F9E]  }
0x28: {  	s2 =	sld [smem:$0x3F9F]  }
0x29: {  	s4 =	sld [smem:$0x3FA1]  }
0x2a: {  	p0 =	seq.s32 s5, $0x0;
	s5 =	sld [smem:$0x3FA2]  }
0x2b: {  	s6 =	sld [smem:$0x3FA3]  }
0x2c: {  	s7 =	sld [smem:$0x3FA4]  }
0x2d: {  	s3 =	simm.s32 $0x108;
	s8 =	sld [smem:$0x3FA5]  }
0x2e: {  	s3 =	simm.s32 @!p0 $0x1082;
	s9 =	sld [smem:$0x3FA6]  }
0x2f: {  	lr =	sadd.s32 s0, s3;
	s0 =	sld [smem:$0x3F9D]  }
0x30: {  	s3 =	sld [smem:$0x3FA0]  }
0x31: {  	[smem:$0x3FA9] =	sst s10  }
0x32: {  	s10 =	sld [smem:$0x3FA7];
	_ =	sdelay $0x3  }
0x33: {  	p0 =	seq.s32 s10, $0x1;
	s10 =	sld [smem:$0x3FA9];
	_ =	sdelay $0x3  }
0x34: {  	[smem:$0x3FA9] =	sst s10  }
0x35: {  	s10 =	sld [smem:$0x3FA8];
	_ =	sdelay $0x3  }
0x36: {  	p1 =	seq.s32 s10, $0x1;
	s10 =	sld [smem:$0x3FA9];
	_ =	sdelay $0x3  }
0x37: {  	[smem:$0x3FA9] =	sst s10  }
0x38: {  	s10 =	sld [smem:$0x3FAA]  }
0x39: {  	_ = 	snop;
	(pc) =	sbr.ind lr, $3  }
0x3a: {  	_ = 	snop  }
0x3b: {  	_ = 	snop  }
0x3c: {  	p2 =	seq.s32 s10, $0x1;
	s10 =	sld [smem:$0x3FA9]  }
0x3d: {  	_ =	shalt  }
0x3e: {  	_ =	shalt  }
0x3f: {  	_ =	shalt  }
0x40: {  	_ =	shalt  }
0x41: {  	_ =	shalt  }
0x42: {  	_ =	shalt  }
0x43: {  	_ =	shalt  }
0x44: {  	_ =	shalt  }
0x45: {  	_ =	shalt  }
0x46: {  	_ =	shalt  }
0x47: {  	_ =	shalt  }
0x48: {  	_ =	shalt  }
0x49: {  	_ =	shalt  }
0x4a: {  	_ =	shalt  }
0x4b: {  	_ =	shalt  }
0x4c: {  	_ =	shalt  }
0x4d: {  	_ =	shalt  }
0x4e: {  	_ =	shalt  }
0x4f: {  	_ =	shalt  }
0x50: {  	_ =	shalt  }
0x51: {  	_ =	shalt  }
0x52: {  	_ =	shalt  }
0x53: {  	_ =	shalt  }
0x54: {  	_ =	shalt  }
0x55: {  	_ =	shalt  }
0x56: {  	_ =	shalt  }
0x57: {  	_ =	shalt  }
0x58: {  	_ =	shalt  }
0x59: {  	_ =	shalt  }
0x5a: {  	_ =	shalt  }
0x5b: {  	_ =	shalt  }
0x5c: {  	_ =	shalt  }
0x5d: {  	_ =	shalt  }
0x5e: {  	_ =	shalt  }
0x5f: {  	_ =	shalt  }
0x60: {  	_ =	shalt  }
0x61: {  	_ =	shalt  }
0x62: {  	_ =	shalt  }
0x63: {  	_ =	shalt  }
0x64: {  	_ =	shalt  }
0x65: {  	_ =	shalt  }
0x66: {  	_ =	shalt  }
0x67: {  	_ =	shalt  }
0x68: {  	_ =	shalt  }
0x69: {  	_ =	shalt  }
0x6a: {  	_ =	shalt  }
0x6b: {  	_ =	shalt  }
0x6c: {  	_ =	shalt  }
0x6d: {  	_ =	shalt  }
0x6e: {  	_ =	shalt  }
0x6f: {  	_ =	shalt  }
0x70: {  	_ =	shalt  }
0x71: {  	_ =	shalt  }
0x72: {  	_ =	shalt  }
0x73: {  	_ =	shalt  }
0x74: {  	_ =	shalt  }
0x75: {  	_ =	shalt  }
0x76: {  	_ =	shalt  }
0x77: {  	_ =	shalt  }
0x78: {  	_ =	shalt  }
0x79: {  	_ =	shalt  }
0x7a: {  	_ =	shalt  }
0x7b: {  	_ =	shalt  }
0x7c: {  	_ =	shalt  }
0x7d: {  	_ =	shalt  }
0x7e: {  	_ =	shalt  }
0x7f: {  	_ =	shalt  }
0x80: {  	_ =	shalt  }
0x81: {  	_ =	shalt  }
0x82: {  	_ =	shalt  }
0x83: {  	_ =	shalt  }
0x84: {  	_ =	shalt  }
0x85: {  	_ =	shalt  }
0x86: {  	_ =	shalt  }
0x87: {  	_ =	shalt  }
.Lfunc_end0:
.L_simem_size_0:
called_computation_lowered:
.L_overlay_start_0:
0x88: {  	s2 =	sld [smem:$0x3FD9]  }
0x89: {  	s3 =	sld [smem:$0x3FFE];
	_ =	sdelay $0x1  }
0x8a: {  	s1 =	srdreg.scid  }
0x8b: {  	s0 =	sand.u32 $0x1, s1  }
0x8c: {  	s14 =	sshll.u32 s0, $0xA;
	s2 =	sadd.s32 s3, s2  }
0x8d: {  	s2 =	sadd.s32 s2, s14  }
0x8e: {  	[smem:$0x3FB5] =	sst s2  }
0x8f: {  	_ = 	snop  }
0x90: {  	s2 =	sld [smem:$0x3FD0];
	_ =	sdelay $0x2  }
0x91: {  	s15 =	simm.s32 $0xA;
	s4 =	simm.s32 $0x10  }
0x92: {  	[smem:s4], [sflag:s15] =	dma.local [hbm:s2], $0x1  }
0x93: {  	_ =	swait.eq [sflag:s15], $0x1  }
0x94: {  	[sflag:s15] =	ssyncset.done $0x0  }
0x95: {  	s16 =	sld [smem:$0x10];
	[sflag:s15] =	ssyncadd.s32 $0xFFFFFFFF  }
0x96: {  	s17 =	sld [smem:$0x11];
	(tm) =	ssettm $0x1  }
0x97: {  	s18 =	sld [smem:$0x3FFB];
	_ =	sdelay $0x3  }
0x98: {  	_ =	strace s18  }
0x99: {  	s4 =	sld [smem:$0x3FFC];
	_ =	sdelay $0x3  }
0x9a: {  	_ =	strace s4  }
0x9b: {  	s4 =	sld [smem:$0x3FFD];
	_ =	sdelay $0x3  }
0x9c: {  	_ =	strace s4  }
0x9d: {  	_ =	strace $0x8FFFFFFF  }
0x9e: {  	s19 =	sld [smem:$0x3FDB];
	_ =	sdelay $0x1  }
0x9f: {  	s5 =	simm.s32 $_scs_section_size  }
0xa0: {  	s6 =	simm.s32 $_size__tile_overlayer_lowered;
	s7 =	simm.s32 $_tile_overlayer_lowered  }
0xa1: {  	s22 =	simm.s32 $0x1BFF;
	s21 =	sshll.u32 s7, $0x1;
	s4 =	sadd.s32 s5, s19  }
0xa2: {  	s8 =	simm.s32 $0x0;
	s20 =	sshll.u32 s6, $0x1;
	s6 =	sadd.s32 s21, s4  }
0xa3: {  	[timem:s8], [sflag:s22] =	dma.local [hbm:s6], s20  }
0xa4: {  	_ =	swait.ge [sflag:s22], s20  }
0xa5: {  	s5 =	ssub.s32 $0x0, s20;
	[sflag:s22] =	ssyncset.done $0x0  }
0xa6: {  	[sflag:s22] =	ssyncadd.s32 s5;
	_ =	sdelay $0x1  }
0xa7: {  	s23 =	simm.s32 $0x1B8B  }
0xa8: {  	_ =	swait.ge [sflag:s23], $0x1  }
0xa9: {  	[sflag:s23] =	ssyncset.done $0x0  }
0xaa: {  	s25 =	simm.s32 $0x1B8E;
	s24 =	sld [smem:$0x3FFE];
	[sflag:s23] =	ssyncadd.s32 $0xFFFFFFFF  }
0xab: {  	s26 =	simm.s32 $execute0_lowered;
	[smem:$0x3FD2] =	sst s25  }
0xac: {  	s6 =	sshll.u32 s26, $0x1;
	_ =	strace $0x80000046;
	[dreg:$0x1] =	wrdreg $0xFFFFFFFF  }
0xad: {  	s28 =	simm.s32 $_size_execute0_lowered;
	s4 =	sadd.s32 s4, s6;
	[dreg:$0x0] =	wrdreg $0x0  }
0xae: {  	s6 =	sshll.u32 s28, $0x1;
	[dreg:$0x2] =	wrdreg s4  }
0xaf: {  	[dreg:$0x3] =	wrdreg s6  }
0xb0: {  	[dreg:$0x4] =	wrdreg $0xC0  }
0xb1: {  	_ =	task [dreg:s8], $0x5FFFF  }
0xb2: {  	[dreg:$0x1] =	wrdreg $0xFFFFFFFF  }
0xb3: {  	[dreg:$0x0] =	wrdreg $0x60  }
0xb4: {  	[dreg:$0x2] =	wrdreg s24  }
0xb5: {  	[dreg:$0x3] =	wrdreg s17  }
0xb6: {  	[dreg:$0x4] =	wrdreg s16  }
0xb7: {  	[dreg:$0x5] =	wrdreg $0x90800  }
0xb8: {  	[dreg:$0x6] =	wrdreg $0x1D0800  }
0xb9: {  	[dreg:$0x7] =	wrdreg $0x9  }
0xba: {  	_ =	task.clear_ibuf [dreg:s8], $0x8FFFF;
	_ =	strace $0x90000046  }
0xbb: {  	s29 =	simm.s32 $0x9;
	_ =	strace $0x80000048  }
0xbc: {  	_ =	swait.ge [sflag:s29], $0x1  }
0xbd: {  	[sflag:s29] =	ssyncadd.s32 $0xFFFFFFFF  }
0xbe: {  	_ =	strace $0x90000048  }
0xbf: {  	_ =	sfence  }
0xc0: {  	s30 =	sld [smem:$0x0];
	_ =	sdelay $0x2  }
0xc1: {  	s31 =	sshll.u32 s1, $0xD;
	s1 =	sshrl.u32 s1, $0x2  }
0xc2: {  	s3 =	sand.u32 $0x4000, s31;
	s1 =	sadd.s32 s1, s30  }
0xc3: {  	s0 =	sor.u32 s3, s0;
	s1 =	sshll.u32 s1, $0x11  }
0xc4: {  	s0 =	sor.u32 s1, s0  }
0xc5: {  	s0 =	sadd.s32 $0x8F2B, s0  }
0xc6: {  	[sflag:s0] =	ssyncadd.remote.s32 $0x1  }
0xc7: {  	_ =	sfence.sel $0xFFFF  }
0xc8: {  	[dreg:$0x0] =	wrdreg $0xFFFFFFFF;
	(pc) =	sbr.abs _section_cstart, $3  }
0xc9: {  	[dreg:$0x1] =	wrdreg $0xFFFFFFFF  }
0xca: {  	_ =	task.clear_ibuf [dreg:s8], $0x2FFFF;
	_ =	strace $0x9FFFFFFF  }
0xcb: {  	(tm) =	ssettm $0x7FFFFFFF  }
tec
execute0_lowered:
.L_overlay_start_1:
0x0: {  	(tag) =	ssettag $0x1  }
0x1: {  	s9 =	rddreg [dreg:$0x0]  }
0x2: {  	s10 =	rddreg [dreg:$0x1]  }
0x3: {  	s11 =	rddreg [dreg:$0x2]  }
0x4: {  	s1 =	rddreg [dreg:$0x3]  }
0x5: {  	s2 =	rddreg [dreg:$0x4]  }
0x6: {  	s0 =	rddreg [dreg:$0x5];
	s3 =	simm.s32 $0x0  }
0x7: {  	s4 =	srdreg.scid;
	s20 =	simm.s32 $0x80;
	s21 =	simm.s32 $0x5000  }
0x8: {  	s22 =	simm.s32 $0x20;
	s23 =	simm.s32 $0x10;
	s12 =	sand.u32 $0x1, s4  }
0x9: {  	s24 =	simm.s32 $0x0;
	s4 =	stileid.u32;
	s13 =	smul.u32 $0x140000, s12  }
0xa: {  	[smem:$0x7FF] =	sst s3;
	s5 =	sadd.s32 $0x4000, s9;
	s14 =	smul.u32 $0x14000, s4  }
0xb: {  	s6 =	sadd.s32 $0x54000, s9;
	s7 =	sadd.s32 $0x56800, s9;
	s25 =	smul.u32 $0x500, s4  }
0xc: {  	s8 =	sadd.s32 $0x56A00, s9;
	_ =	strace $0x80000047;
	s26 =	smul.u32 $0x50000, s4  }
0xd: {  	s15 =	sshll.u32 s4, $0x1;
	s16 =	sshll.u32 s12, $0x7;
	s18 =	smul.u32 $0xA00, s4  }
0xe: {  	s31 =	sshll.u32 s4, $0x6;
	s15 =	sor.u32 s12, s15;
	s12 =	ssub.s32 $0x2, s12  }
0xf: {  	s13 =	sadd.s32 s14, s13;
	s15 =	smul.u32 $0x500, s15;
	s14 =	sor.u32 s16, s25  }
0x10: {  	s17 =	sshrl.u32 s12, $0x1;
	s28 =	sshrl.u32 s26, $0x2;
	s29 =	sshrl.u32 s18, $0x2  }
0x11: {  	s16 =	simm.s32 $0x9000;
	s13 =	sshrl.u32 s13, $0x3;
	s14 =	sshrl.u32 s14, $0x3  }
0x12: {  	s17 =	ssub.s32 s12, s17;
	s30 =	sadd.s32 s28, s1;
	s19 =	sadd.s32 s29, s2  }
0x13: {  	s13 =	sadd.s32 s13, s9;
	s14 =	sadd.s32 s14, s9;
	s9 =	sadd.s32 s10, s15  }
0x14: {  	s10 =	sadd.s32 s11, s15;
	s15 =	simm.s32 $0x2800;
	s18 =	sshrl.u32 s30, $0x3  }
0x15: {  	s19 =	sshrl.u32 s19, $0x3;
	s11 =	sadd.s32 $0x56C00, s13;
	s12 =	sadd.s32 $0xA6C00, s14  }
0x16: {  	s13 =	smax.u32 s17, $0x1;
	s14 =	simm.s32 $0x1;
	s17 =	sor.u32 $0x1C01, s31  }
.LBB2_1:
0x17: {  	[tilespmem:s3], [sflag:$0x1] =	stream.linear.gather [hbm4b:s9+s3], $0x2780, $0x38;
	[tilespmem:$0x1D300] =	vst v63  }
0x18: {  	_ =	swait.ge [sflag:s14], $0x2780  }
0x19: {  	[sflag:s14] =	ssyncset.done $0x0  }
0x1a: {  	[sflag:s14] =	ssyncadd.s32 $0xFFFFD880  }
0x1b: {  	[tilespmem:s15], [sflag:$0x1] =	stream.linear.gather [hbm4b:s10+s3], $0x2780, $0x38;
	[tilespmem:$0x1D300] =	vst v63  }
0x1c: {  	_ =	swait.ge [sflag:s14], $0x2780  }
0x1d: {  	[sflag:s14] =	ssyncset.done $0x0  }
0x1e: {  	[sflag:s14] =	ssyncadd.s32 $0xFFFFD880  }
0x1f: {  	[tilespmem:s16], [sflag:$0x1] =	stream.linear.gather [hbm4b:s8+s3], $0x80, $0x38;
	[tilespmem:$0x1D300] =	vst v63  }
0x20: {  	_ =	swait.ge [sflag:s14], $0x80  }
0x21: {  	[sflag:s14] =	ssyncset.done $0x0  }
0x22: {  	[sflag:s14] =	ssyncadd.s32 $0xFFFFFF80  }
0x23: {  	[spmem:s18], [sflag:s17] =	dma.local [hbm:s6], $0x2800  }
0x24: {  	_ =	swait.ge [sflag:s14], $0x2800  }
0x25: {  	[sflag:s14] =	ssyncset.done $0x0  }
0x26: {  	[sflag:s14] =	ssyncadd.s32 $0xFFFFD800  }
0x27: {  	[spmem:s19], [sflag:s17] =	dma.local [hbm:s7], $0x50  }
0x28: {  	_ =	swait.ge [sflag:s14], $0x50  }
0x29: {  	[sflag:s14] =	ssyncset.done $0x0  }
0x2a: {  	[sflag:s14] =	ssyncadd.s32 $0xFFFFFFB0  }
0x2b: {  	s25 =	simm.s32 $0x0;
	[bflag:$0x0] =	sbarrier.arrive $0xFFFF  }
0x2c: {  	[tilespmem:s21], [sflag:$0x1] =	stream.indirect.gather [hbm4b:s5+s20], $0x80, s25, s20, $0xb8;
	[tilespmem:$0x1D300] =	vst v63  }
0x2d: {  	_ =	swait.ge [sflag:s14], $0x4000  }
0x2e: {  	[sflag:s14] =	ssyncset.done $0x0  }
0x2f: {  	s31 =	simm.s32 $0x2800;
	[sflag:s14] =	ssyncadd.s32 $0xFFFFC000  }
0x30: {  	[spmem:s1] =	stream.indirect.scatter.add.f32 [tilespmem:s21], [sflag:$0x1], $0x80, s31, s20, $0xb8;
	[tilespmem:$0x1D300] =	vst v63  }
0x31: {  	_ =	swait.ge [sflag:s14], $0x4000  }
0x32: {  	[sflag:s14] =	ssyncset.done $0x0  }
0x33: {  	[sflag:s14] =	ssyncadd.s32 $0xFFFFC000  }
0x34: {  	[spmem:s2] =	stream.indirect.scatter.add.f32 [tilespmem:s16], [sflag:$0x1], $0x1, s31, s20, $0xb8;
	[tilespmem:$0x1D300] =	vst v63  }
0x35: {  	_ =	swait.ge [sflag:s14], $0x80  }
0x36: {  	s26 =	simm.s32 $0x400;
	s25 =	simm.s32 $0x200;
	[sflag:s14] =	ssyncset.done $0x0  }
.LBB2_2:
0x37: {  	s28 =	sshra.s32 s25, $0x2  }
0x38: {  	[sflag:s14] =	ssyncadd.s32 $0xFFFFFF80;
	s25 =	smov.u32 s26;
	s29 =	sadd.s32 $0x200, s26  }
0x39: {  	[tilespmem:s21], [sflag:$0x1] =	stream.indirect.gather [hbm4b:s5+s20], $0x80, s28, s20, $0xb8;
	[tilespmem:$0x1D300] =	vst v63  }
0x3a: {  	p0 =	sne.s32 s26, $0x9C00;
	_ =	swait.ge [sflag:s14], $0x4000  }
0x3b: {  	[sflag:s14] =	ssyncset.done $0x0  }
0x3c: {  	s26 =	sadd.s32 $0x2800, s28;
	[sflag:s14] =	ssyncadd.s32 $0xFFFFC000  }
0x3d: {  	[spmem:s1] =	stream.indirect.scatter.add.f32 [tilespmem:s21], [sflag:$0x1], $0x80, s26, s20, $0xb8;
	[tilespmem:$0x1D300] =	vst v63  }
0x3e: {  	_ =	swait.ge [sflag:s14], $0x4000  }
.Ltmp0:
0x3f: {  	[sflag:s14] =	ssyncset.done $0x0;
	(pc) =	sbr.rel @p0 .LBB2_2-.Ltmp0, $4  }
0x40: {  	[sflag:s14] =	ssyncadd.s32 $0xFFFFC000  }
0x41: {  	[spmem:s2] =	stream.indirect.scatter.add.f32 [tilespmem:s16], [sflag:$0x1], $0x1, s26, s20, $0xb8;
	[tilespmem:$0x1D300] =	vst v63  }
0x42: {  	_ =	swait.ge [sflag:s14], $0x80  }
0x43: {  	s26 =	smov.u32 s29;
	[sflag:s14] =	ssyncset.done $0x0  }
0x44: {  	s25 =	sshra.s32 s25, $0x2;
	[sflag:s14] =	ssyncadd.s32 $0xFFFFFF80  }
0x45: {  	[tilespmem:s21], [sflag:$0x1] =	stream.indirect.gather [hbm4b:s5+s20], $0x80, s25, s20, $0xb8;
	[tilespmem:$0x1D300] =	vst v63  }
0x46: {  	_ =	swait.ge [sflag:s14], $0x4000  }
0x47: {  	[sflag:s14] =	ssyncset.done $0x0  }
0x48: {  	s25 =	sadd.s32 $0x2800, s25;
	[sflag:s14] =	ssyncadd.s32 $0xFFFFC000  }
0x49: {  	[spmem:s1] =	stream.indirect.scatter.add.f32 [tilespmem:s21], [sflag:$0x1], $0x80, s25, s20, $0xb8;
	[tilespmem:$0x1D300] =	vst v63  }
0x4a: {  	_ =	swait.ge [sflag:s14], $0x4000  }
0x4b: {  	[sflag:s14] =	ssyncset.done $0x0  }
0x4c: {  	[sflag:s14] =	ssyncadd.s32 $0xFFFFC000  }
0x4d: {  	[spmem:s2] =	stream.indirect.scatter.add.f32 [tilespmem:s16], [sflag:$0x1], $0x1, s25, s20, $0xb8;
	[tilespmem:$0x1D300] =	vst v63  }
0x4e: {  	_ =	swait.ge [sflag:s14], $0x80  }
0x4f: {  	[sflag:s14] =	ssyncset.done $0x0  }
0x50: {  	[sflag:s14] =	ssyncadd.s32 $0xFFFFFF80  }
0x51: {  	[bflag:$0x0] =	sbarrier.arrive $0xFFFF  }
0x52: {  	[hbm:s11], [sflag:s17] =	dma.local [spmem:s18], $0x2800  }
0x53: {  	s24 =	sadd.s32 $0x1, s24;
	_ =	swait.ge [sflag:s14], $0x2800  }
0x54: {  	p0 =	sne.s32 s24, s13;
	[sflag:s14] =	ssyncset.done $0x0  }
.Ltmp1:
0x55: {  	[sflag:s14] =	ssyncadd.s32 $0xFFFFD800;
	(pc) =	sbr.rel @p0 .LBB2_1-.Ltmp1, $4  }
0x56: {  	[hbm:s12@s22], [sflag:s17] =	dma.strided [spmem:s19@s23], $0x50, s14, $0x10   }
0x57: {  	_ =	swait.ge [sflag:s14], $0x50  }
0x58: {  	[sflag:s14] =	ssyncset.done $0x0  }
0x59: {  	[sflag:s14] =	ssyncadd.s32 $0xFFFFFFB0  }
0x5a: {  	_ =	sfence.sel $0x180000  }
0x5b: {  	[bflag:$0x0] =	sbarrier.arrive $0xFFFF  }
0x5c: {  	p0 =	sne.s32 s4, $0x0;
	_ =	strace $0x90000047  }
0x5d: {  	s0 =	sadd.s32 @!p0 $0x100000, s0;
	[bflag:$0x2] =	sbarrier.arrive $0xFFFF  }
0x5e: {  	[sflag:s0] =	ssyncadd.tile.s32 @!p0 $0x1;
	_ =	shalt  }
.Lfunc_end2:
_tile_overlayer_lowered:
.L_overlay_start_2:
0x5f: {  	(tag) =	ssettag $0x2  }
0x60: {  	s0 =	rddreg [dreg:$0x0];
	s2 =	stileid.u32  }
0x61: {  	s1 =	rddreg [dreg:$0x1];
	p0 =	sne.s32 s2, $0x0  }
0x62: {  	s3 =	rddreg [dreg:$0x2];
	[bflag:$0x3] =	sbarrier.arrive $0xFFFF;
	s2 =	simm.s32 @!p0 $0x1C01  }
0x63: {  	[timem:s3], [sflag:s2] =	dma.local @!p0 [hbm:s0], s1  }
0x64: {  	s0 =	simm.s32 @!p0 $0x1  }
0x65: {  	_ =	swait.ge @!p0 [sflag:s0], s1  }
0x66: {  	s1 =	ssub.s32 @!p0 $0x0, s1;
	[sflag:s0] =	ssyncset.done @!p0 $0x0  }
0x67: {  	[sflag:s0] =	ssyncadd.s32 @!p0 s1  }
0x68: {  	[bflag:$0x3] =	sbarrier.arrive $0xFFFF  }
0x69: {  	_ =	shalt  }

</sc_bundles>
